<compile_context>
chip_gen: v7x
topology: tpu7x:2x2x1
jax: 0.10.2.dev20260603
libtpu: 0.0.44.dev20260713+nightly
codegen_flags: <defaults>
</compile_context>

<pallas_src>
import functools

import jax
import jax.numpy as jnp
from jax import lax
from jax.experimental import pallas as pl
from jax.experimental.pallas import tpu as pltpu
from jax.experimental.pallas import tpu_sc as plsc

E = 8
D = 1024
DP = D // 2
H = 512
T = 4096
N = 2 * T
BS = 256
NB = N // BS + E - 1
NP = NB * BS
NW = 32
TPW = T // NW
CH = 128


def _pack_bf16(v):
    k = v.shape[-1] // 2
    u = pltpu.pack_elementwise([v[:, :k], v[:, k:]],
                               packed_dtype=jnp.bfloat16)
    return pltpu.bitcast(u, jnp.int32)


def _unpack_bf16(v):
    u = pltpu.bitcast(v, jnp.uint32)
    lo = pltpu.unpack_elementwise(u, index=0, packed_dtype=jnp.bfloat16,
                                  unpacked_dtype=jnp.float32)
    hi = pltpu.unpack_elementwise(u, index=1, packed_dtype=jnp.bfloat16,
                                  unpacked_dtype=jnp.float32)
    return jnp.concatenate([lo, hi], axis=1)


def _router_body(x_ref, wr_ref, xp_ref, c0_ref, c1_ref, pos_ref, bexp_ref,
                 a_ref, r_ref, g_ref, gx_ref):
    x = x_ref[...]
    xp_ref[...] = _pack_bf16(x)
    logits = lax.dot_general(x, wr_ref[...], (((1,), (1,)), ((), ())),
                             preferred_element_type=jnp.float32)
    iota_e = lax.broadcasted_iota(jnp.int32, (T, E), 1)
    l0 = jnp.max(logits, axis=1, keepdims=True)
    e0 = jnp.min(jnp.where(logits == l0, iota_e, E), axis=1, keepdims=True)
    masked = jnp.where(iota_e == e0, -jnp.inf, logits)
    l1 = jnp.max(masked, axis=1, keepdims=True)
    e1 = jnp.min(jnp.where(masked == l1, iota_e, E), axis=1, keepdims=True)
    c0 = jax.nn.sigmoid(l0 - l1)
    c0_ref[...] = c0
    c1_ref[...] = 1.0 - c0
    a_ref[0:T, :] = (iota_e == e0).astype(jnp.float32)
    a_ref[T:N, :] = (iota_e == e1).astype(jnp.float32)

    tri = (lax.broadcasted_iota(jnp.int32, (128, 128), 0) >=
           lax.broadcasted_iota(jnp.int32, (128, 128), 1)
           ).astype(jnp.float32)
    ngrp = N // 128

    def loop1(g, _):
        blk = a_ref[pl.ds(g * 128, 128), :]
        pre = lax.dot_general(tri, blk, (((1,), (0,)), ((), ())),
                              preferred_element_type=jnp.float32)
        r_ref[pl.ds(g * 128, 128), :] = pre
        g_ref[pl.ds(g, 1), :] = pre[127:128, :]
        return 0
    lax.fori_loop(0, ngrp, loop1, 0)

    gmat = g_ref[...]
    e64 = (lax.broadcasted_iota(jnp.int32, (ngrp, ngrp), 1) <
           lax.broadcasted_iota(jnp.int32, (ngrp, ngrp), 0)
           ).astype(jnp.float32)
    gx_ref[...] = lax.dot_general(e64, gmat, (((1,), (0,)), ((), ())),
                                  preferred_element_type=jnp.float32)
    counts = jnp.sum(gmat, axis=0, keepdims=True)
    pad = ((counts.astype(jnp.int32) + BS - 1) // BS) * BS
    u = (lax.broadcasted_iota(jnp.int32, (E, E), 0) <
         lax.broadcasted_iota(jnp.int32, (E, E), 1)).astype(jnp.float32)
    off = lax.dot_general(pad.astype(jnp.float32), u,
                          (((1,), (0,)), ((), ())),
                          preferred_element_type=jnp.float32)
    total = jnp.sum(pad, axis=1, keepdims=True)

    def loop2(g, _):
        ab = a_ref[pl.ds(g * 128, 128), :]
        rb = r_ref[pl.ds(g * 128, 128), :]
        gx = gx_ref[pl.ds(g, 1), :]
        pm = ab * (rb - 1.0 + gx + off)
        p = jnp.sum(pm, axis=1, keepdims=True)
        pos_ref[pl.ds(g * 128, 128), :] = p.astype(jnp.int32)
        return 0
    lax.fori_loop(0, ngrp, loop2, 0)

    pst = lax.broadcasted_iota(jnp.int32, (64, 1), 0) * BS
    be = jnp.sum((off <= pst.astype(jnp.float32)).astype(jnp.int32),
                 axis=1, keepdims=True) - 1
    be = jnp.where(pst < total, be, E)
    bexp_ref[...] = be[:NB, :]


def _router(x_flat, Wr):
    return pl.pallas_call(
        _router_body,
        grid=(1,),
        in_specs=[
            pl.BlockSpec((T, D), lambda i: (0, 0)),
            pl.BlockSpec((E, D), lambda i: (0, 0)),
        ],
        out_specs=[
            pl.BlockSpec((T, DP), lambda i: (0, 0)),
            pl.BlockSpec((T, 1), lambda i: (0, 0)),
            pl.BlockSpec((T, 1), lambda i: (0, 0)),
            pl.BlockSpec((N, 1), lambda i: (0, 0)),
            pl.BlockSpec((NB, 1), lambda i: (0, 0)),
        ],
        out_shape=[
            jax.ShapeDtypeStruct((T, DP), jnp.int32),
            jax.ShapeDtypeStruct((T, 1), jnp.float32),
            jax.ShapeDtypeStruct((T, 1), jnp.float32),
            jax.ShapeDtypeStruct((N, 1), jnp.int32),
            jax.ShapeDtypeStruct((NB, 1), jnp.int32),
        ],
        scratch_shapes=[
            pltpu.VMEM((N, E), jnp.float32),
            pltpu.VMEM((N, E), jnp.float32),
            pltpu.VMEM((N // 128, E), jnp.float32),
            pltpu.VMEM((N // 128, E), jnp.float32),
        ],
    )(x_flat, Wr)


@functools.lru_cache(maxsize=None)
def _make_scatter():
    mesh = plsc.VectorSubcoreMesh(core_axis_name="c", subcore_axis_name="s")

    @functools.partial(
        pl.kernel, mesh=mesh,
        out_type=jax.ShapeDtypeStruct((NP, DP), jnp.int32),
        scratch_types=[
            pltpu.VMEM((CH,), jnp.int32),
            pltpu.VMEM((CH,), jnp.int32),
            pltpu.VMEM((CH, DP), jnp.int32),
            pltpu.SemaphoreType.DMA,
        ],
    )
    def _scatter(xp_hbm, pos_hbm, xs_hbm, idx0_v, idx1_v, rows_v, sem):
        wid = lax.axis_index("s") * 2 + lax.axis_index("c")
        for half in range(TPW // CH):
            base = wid * TPW + half * CH
            pltpu.sync_copy(xp_hbm.at[pl.ds(base, CH)], rows_v)
            pltpu.sync_copy(pos_hbm.at[pl.ds(base, CH)], idx0_v)
            pltpu.sync_copy(pos_hbm.at[pl.ds(T + base, CH)], idx1_v)
            d0 = pltpu.async_copy(rows_v, xs_hbm.at[idx0_v], sem)
            d1 = pltpu.async_copy(rows_v, xs_hbm.at[idx1_v], sem)
            d0.wait()
            d1.wait()

    return _scatter


def _scatter_sc(xp, pos_flat):
    return _make_scatter()(xp, pos_flat)


def _gmm_body(bexp_ref, xs_ref, w1_ref, w2_ref, ys_ref):
    @pl.when(bexp_ref[pl.program_id(0), 0] < E)
    def _():
        xb = _unpack_bf16(xs_ref[...])
        h = lax.dot_general(xb, w1_ref[0],
                            (((1,), (1,)), ((), ())),
                            preferred_element_type=jnp.float32)
        h = h * jax.nn.sigmoid(h)
        y = lax.dot_general(h, w2_ref[0],
                            (((1,), (1,)), ((), ())),
                            preferred_element_type=jnp.float32)
        ys_ref[...] = _pack_bf16(y)


def _gmm(bexp, xs, w1, w2):
    grid_spec = pltpu.PrefetchScalarGridSpec(
        num_scalar_prefetch=1,
        grid=(NB,),
        in_specs=[
            pl.BlockSpec((BS, DP), lambda b, be: (b, 0)),
            pl.BlockSpec((1, H, D),
                         lambda b, be: (jnp.minimum(be[b, 0], E - 1), 0, 0)),
            pl.BlockSpec((1, D, H),
                         lambda b, be: (jnp.minimum(be[b, 0], E - 1), 0, 0)),
        ],
        out_specs=pl.BlockSpec((BS, DP), lambda b, be: (b, 0)),
    )
    return pl.pallas_call(
        _gmm_body,
        grid_spec=grid_spec,
        out_shape=jax.ShapeDtypeStruct((NP, DP), jnp.int32),
    )(bexp, xs, w1, w2)


@functools.lru_cache(maxsize=None)
def _make_gather():
    mesh = plsc.VectorSubcoreMesh(core_axis_name="c", subcore_axis_name="s")

    @functools.partial(
        pl.kernel, mesh=mesh,
        out_type=(jax.ShapeDtypeStruct((T, DP), jnp.int32),
                  jax.ShapeDtypeStruct((T, DP), jnp.int32)),
        scratch_types=[
            pltpu.VMEM((CH,), jnp.int32),
            pltpu.VMEM((CH, DP), jnp.int32),
            pltpu.SemaphoreType.DMA,
        ],
    )
    def _gather(ys_hbm, pos_hbm, b0_hbm, b1_hbm, idx_v, rows_v, sem):
        wid = lax.axis_index("s") * 2 + lax.axis_index("c")
        for half in range(TPW // CH):
            base = wid * TPW + half * CH
            for k, dst in ((0, b0_hbm), (1, b1_hbm)):
                pltpu.sync_copy(pos_hbm.at[pl.ds(k * T + base, CH)], idx_v)
                pltpu.async_copy(ys_hbm.at[idx_v], rows_v, sem).wait()
                pltpu.sync_copy(rows_v, dst.at[pl.ds(base, CH)])

    return _gather


def _gather_sc(ys, pos_flat):
    return _make_gather()(ys, pos_flat)


BLN = 512


def _ln_body(b0_ref, b1_ref, c0_ref, c1_ref, gamma_ref, beta_ref, o_ref):
    r0 = _unpack_bf16(b0_ref[...])
    r1 = _unpack_bf16(b1_ref[...])
    y = c0_ref[...] * r0 + c1_ref[...] * r1
    mean = jnp.mean(y, axis=-1, keepdims=True)
    var = jnp.mean((y - mean) ** 2, axis=-1, keepdims=True)
    normed = (y - mean) * lax.rsqrt(var + 1e-5)
    o_ref[...] = normed * gamma_ref[...][None, :] + beta_ref[...][None, :]


def _combine_ln(b0, b1, c0, c1, gamma, beta):
    return pl.pallas_call(
        _ln_body,
        grid=(T // BLN,),
        in_specs=[
            pl.BlockSpec((BLN, DP), lambda i: (i, 0)),
            pl.BlockSpec((BLN, DP), lambda i: (i, 0)),
            pl.BlockSpec((BLN, 1), lambda i: (i, 0)),
            pl.BlockSpec((BLN, 1), lambda i: (i, 0)),
            pl.BlockSpec((D,), lambda i: (0,)),
            pl.BlockSpec((D,), lambda i: (0,)),
        ],
        out_specs=pl.BlockSpec((BLN, D), lambda i: (i, 0)),
        out_shape=jax.ShapeDtypeStruct((T, D), jnp.float32),
    )(b0, b1, c0, c1, gamma, beta)


def kernel(x, Wr, w1, w2, gamma, beta):
    B, S, Dm = x.shape
    x_flat = x.reshape(-1, Dm)
    xp, c0, c1, pos, bexp = _router(x_flat, Wr)
    pos_flat = pos.reshape(N)
    xs = _scatter_sc(xp, pos_flat)
    ys = _gmm(bexp, xs, w1, w2)
    b0, b1 = _gather_sc(ys, pos_flat)
    out = _combine_ln(b0, b1, c0, c1, gamma, beta)
    return (out.reshape(B, S, Dm), jnp.asarray(0.0, dtype=jnp.float32))

# --- scband reference (transcript-rebuilt; emitter-appended) ---
"""Pipeline reference for scband-l1-knowledge-mo-e-52750788329560 (READ-ONLY COPY).

The authoritative reference and input builder live on the scoring server;
editing this copy changes nothing except your own understanding.
"""

import jax, jax.numpy as jnp
import numpy as np


def setup_inputs(seed: int = 0) -> dict:
    key = jax.random.key(seed)
    ks = jax.random.split(key, 4)
    x = jax.random.normal(ks[0], (2, 2048, 1024), dtype=jnp.float32)
    # router: nn.Linear(d_model, num_experts, bias=False) -> weight [E, D]
    Wr = jax.random.normal(ks[1], (8, 1024), dtype=jnp.float32) * 0.02
    # experts: w1 [E, H, D], w2 [E, D, H] (torch Linear weight layout [out, in])
    w1 = jax.random.normal(ks[2], (8, 512, 1024), dtype=jnp.float32) * 0.02
    w2 = jax.random.normal(ks[3], (8, 1024, 512), dtype=jnp.float32) * 0.02
    gamma = jnp.ones((1024,), dtype=jnp.float32)
    beta = jnp.zeros((1024,), dtype=jnp.float32)
    return {"x": x, "Wr": Wr, "w1": w1, "w2": w2, "gamma": gamma, "beta": beta}


def reference(x, Wr, w1, w2, gamma, beta):
    # Eval-mode forward (no router noise, load_balancing_loss = 0)
    B, S, D = x.shape
    E = Wr.shape[0]
    K = 2
    x_flat = x.reshape(-1, D)
    T = x_flat.shape[0]
    router_logits = x_flat @ Wr.T
    routing_probs = jax.nn.softmax(router_logits, axis=-1)
    routing_weights, selected_experts = jax.lax.top_k(routing_probs, K)
    routing_weights = routing_weights / jnp.sum(routing_weights, axis=-1, keepdims=True)
    # combine weights [T, E]: w0 + w1 per selected expert (zero elsewhere)
    combine = jnp.zeros((T, E), dtype=x_flat.dtype).at[
        jnp.arange(T)[:, None], selected_experts
    ].add(routing_weights)
    # dense expert computation, weighted by combine (exactly matches masked torch loop)
    h = jnp.einsum('td,ehd->teh', x_flat, w1)
    h = jax.nn.silu(h)
    expert_out = jnp.einsum('teh,edh->ted', h, w2)
    final_output = jnp.einsum('te,ted->td', combine, expert_out)
    # LayerNorm (eps=1e-5)
    mean = jnp.mean(final_output, axis=-1, keepdims=True)
    var = jnp.var(final_output, axis=-1, keepdims=True)
    normed = (final_output - mean) / jnp.sqrt(var + 1e-5) * gamma + beta
    load_balancing_loss = jnp.asarray(0.0, dtype=jnp.float32)
    return (normed.reshape(B, S, D), load_balancing_loss)

if __name__ == "__main__":
    import jax
    _d = setup_inputs()
    print(jax.jit(kernel)(*tuple(_d.values())))

</pallas_src>

<mosaic_0001>
#map = affine_map<(d0, d1) -> (0, 0)>
#map1 = affine_map<(d0, d1) -> (0)>
module attributes {stable_mosaic.version = 14 : i64} {
  func.func @_scatter(%arg0: i32, %arg1: i32, %arg2: memref<4096x512xi32, #tpu.memory_space<hbm>>, %arg3: memref<8192xi32, #tpu.memory_space<hbm>>, %arg4: memref<9984x512xi32, #tpu.memory_space<hbm>>, %arg5: memref<128xi32, #tpu.memory_space<vmem>>, %arg6: memref<128xi32, #tpu.memory_space<vmem>>, %arg7: memref<128x512xi32, #tpu.memory_space<vmem>>, %arg8: memref<!tpu.dma_semaphore, #tpu.memory_space<semaphore_mem>>) attributes {dimension_semantics = [#tpu.dimension_semantics<core_parallel>, #tpu.dimension_semantics<subcore_parallel>], iteration_bounds = array<i64: 2, 16>, scalar_prefetch = 0 : i64, scratch_operands = 4 : i64, tpu.core_type = #tpu.core_type<sc_vector_subcore>, window_params = [{transform_indices = #map}, {transform_indices = #map1}, {transform_indices = #map}]} {
    %mul3A = arith.constant 2 : i32
    %mul3A_0 = arith.muli %arg1, %mul3A : i32
    %add3A = arith.addi %mul3A_0, %arg0 : i32
    %mul3A_1 = arith.constant 128 : i32
    %mul3A_2 = arith.muli %add3A, %mul3A_1 : i32
    %add3A_3 = arith.constant 0 : i32
    %add3A_4 = arith.addi %mul3A_2, %add3A_3 : i32
    "tpu.region"() ({
      %run_scoped3A = tpu.sem_alloc : memref<!tpu.dma_semaphore, #tpu.memory_space<semaphore_mem>>
      %dma_start3A_17 = arith.constant 0 : i32
      %dma_start3A_18 = tpu.memref_slice %arg2[%add3A_4, %dma_start3A_17] : memref<4096x512xi32, #tpu.memory_space<hbm>> -> memref<128x512xi32, #tpu.memory_space<hbm>>
      %dma_start3A_19 = arith.constant 0 : i32
      %dma_start3A_20 = tpu.memref_slice %arg2[%add3A_4, %dma_start3A_19] : memref<4096x512xi32, #tpu.memory_space<hbm>> -> memref<128x512xi32, #tpu.memory_space<hbm>>
      tpu.enqueue_dma source(%dma_start3A_20 : memref<128x512xi32, #tpu.memory_space<hbm>>) target(%arg7 : memref<128x512xi32, #tpu.memory_space<vmem>>) target_semaphore(%run_scoped3A : memref<!tpu.dma_semaphore, #tpu.memory_space<semaphore_mem>>)
      %dma_wait3A_21 = arith.constant 0 : i32
      %dma_wait3A_22 = tpu.memref_slice %arg2[%add3A_4, %dma_wait3A_21] : memref<4096x512xi32, #tpu.memory_space<hbm>> -> memref<128x512xi32, #tpu.memory_space<hbm>>
      %dma_wait3A_23 = arith.constant 0 : i32
      %dma_wait3A_24 = tpu.memref_slice %arg2[%add3A_4, %dma_wait3A_23] : memref<4096x512xi32, #tpu.memory_space<hbm>> -> memref<128x512xi32, #tpu.memory_space<hbm>>
      tpu.wait_dma2 semaphore(%run_scoped3A : memref<!tpu.dma_semaphore, #tpu.memory_space<semaphore_mem>>) src(%dma_wait3A_24 : memref<128x512xi32, #tpu.memory_space<hbm>>) dst(%arg7 : memref<128x512xi32, #tpu.memory_space<vmem>>)
      tpu.yield
    }) : () -> ()
    "tpu.region"() ({
      %run_scoped3A = tpu.sem_alloc : memref<!tpu.dma_semaphore, #tpu.memory_space<semaphore_mem>>
      %dma_start3A_17 = tpu.memref_slice %arg3[%add3A_4] : memref<8192xi32, #tpu.memory_space<hbm>> -> memref<128xi32, #tpu.memory_space<hbm>>
      %dma_start3A_18 = tpu.memref_slice %arg3[%add3A_4] : memref<8192xi32, #tpu.memory_space<hbm>> -> memref<128xi32, #tpu.memory_space<hbm>>
      tpu.enqueue_dma source(%dma_start3A_18 : memref<128xi32, #tpu.memory_space<hbm>>) target(%arg5 : memref<128xi32, #tpu.memory_space<vmem>>) target_semaphore(%run_scoped3A : memref<!tpu.dma_semaphore, #tpu.memory_space<semaphore_mem>>)
      %dma_wait3A_19 = tpu.memref_slice %arg3[%add3A_4] : memref<8192xi32, #tpu.memory_space<hbm>> -> memref<128xi32, #tpu.memory_space<hbm>>
      %dma_wait3A_20 = tpu.memref_slice %arg3[%add3A_4] : memref<8192xi32, #tpu.memory_space<hbm>> -> memref<128xi32, #tpu.memory_space<hbm>>
      tpu.wait_dma2 semaphore(%run_scoped3A : memref<!tpu.dma_semaphore, #tpu.memory_space<semaphore_mem>>) src(%dma_wait3A_20 : memref<128xi32, #tpu.memory_space<hbm>>) dst(%arg5 : memref<128xi32, #tpu.memory_space<vmem>>)
      tpu.yield
    }) : () -> ()
    %add3A_5 = arith.constant 4096 : i32
    %add3A_6 = arith.addi %add3A_5, %add3A_4 : i32
    "tpu.region"() ({
      %run_scoped3A = tpu.sem_alloc : memref<!tpu.dma_semaphore, #tpu.memory_space<semaphore_mem>>
      %dma_start3A_17 = tpu.memref_slice %arg3[%add3A_6] : memref<8192xi32, #tpu.memory_space<hbm>> -> memref<128xi32, #tpu.memory_space<hbm>>
      %dma_start3A_18 = tpu.memref_slice %arg3[%add3A_6] : memref<8192xi32, #tpu.memory_space<hbm>> -> memref<128xi32, #tpu.memory_space<hbm>>
      tpu.enqueue_dma source(%dma_start3A_18 : memref<128xi32, #tpu.memory_space<hbm>>) target(%arg6 : memref<128xi32, #tpu.memory_space<vmem>>) target_semaphore(%run_scoped3A : memref<!tpu.dma_semaphore, #tpu.memory_space<semaphore_mem>>)
      %dma_wait3A_19 = tpu.memref_slice %arg3[%add3A_6] : memref<8192xi32, #tpu.memory_space<hbm>> -> memref<128xi32, #tpu.memory_space<hbm>>
      %dma_wait3A_20 = tpu.memref_slice %arg3[%add3A_6] : memref<8192xi32, #tpu.memory_space<hbm>> -> memref<128xi32, #tpu.memory_space<hbm>>
      tpu.wait_dma2 semaphore(%run_scoped3A : memref<!tpu.dma_semaphore, #tpu.memory_space<semaphore_mem>>) src(%dma_wait3A_20 : memref<128xi32, #tpu.memory_space<hbm>>) dst(%arg6 : memref<128xi32, #tpu.memory_space<vmem>>)
      tpu.yield
    }) : () -> ()
    %dma_start3A = arith.constant 0 : i32
    %dma_start3A_7 = arith.constant 0 : i32
    %dma_start3A_8 = tpu.memref_slice %arg4[%dma_start3A, %dma_start3A_7] : memref<9984x512xi32, #tpu.memory_space<hbm>> -> memref<9984x512xi32, #tpu.memory_space<hbm>>
    tpu.enqueue_indirect_dma source(%arg7 : memref<128x512xi32, #tpu.memory_space<vmem>>) target(%dma_start3A_8 : memref<9984x512xi32, #tpu.memory_space<hbm>>) offsets(%arg5 : memref<128xi32, #tpu.memory_space<vmem>>) semaphore(%arg8 : memref<!tpu.dma_semaphore, #tpu.memory_space<semaphore_mem>>)
    %dma_start3A_9 = arith.constant 0 : i32
    %dma_start3A_10 = arith.constant 0 : i32
    %dma_start3A_11 = tpu.memref_slice %arg4[%dma_start3A_9, %dma_start3A_10] : memref<9984x512xi32, #tpu.memory_space<hbm>> -> memref<9984x512xi32, #tpu.memory_space<hbm>>
    tpu.enqueue_indirect_dma source(%arg7 : memref<128x512xi32, #tpu.memory_space<vmem>>) target(%dma_start3A_11 : memref<9984x512xi32, #tpu.memory_space<hbm>>) offsets(%arg6 : memref<128xi32, #tpu.memory_space<vmem>>) semaphore(%arg8 : memref<!tpu.dma_semaphore, #tpu.memory_space<semaphore_mem>>)
    %dma_wait3A = arith.constant 0 : i32
    %dma_wait3A_12 = arith.constant 0 : i32
    %dma_wait3A_13 = tpu.memref_slice %arg4[%dma_wait3A, %dma_wait3A_12] : memref<9984x512xi32, #tpu.memory_space<hbm>> -> memref<9984x512xi32, #tpu.memory_space<hbm>>
    tpu.wait_indirect_dma semaphore(%arg8 : memref<!tpu.dma_semaphore, #tpu.memory_space<semaphore_mem>>) src(%arg7 : memref<128x512xi32, #tpu.memory_space<vmem>>) dst(%dma_wait3A_13 : memref<9984x512xi32, #tpu.memory_space<hbm>>)
    %dma_wait3A_14 = arith.constant 0 : i32
    %dma_wait3A_15 = arith.constant 0 : i32
    %dma_wait3A_16 = tpu.memref_slice %arg4[%dma_wait3A_14, %dma_wait3A_15] : memref<9984x512xi32, #tpu.memory_space<hbm>> -> memref<9984x512xi32, #tpu.memory_space<hbm>>
    tpu.wait_indirect_dma semaphore(%arg8 : memref<!tpu.dma_semaphore, #tpu.memory_space<semaphore_mem>>) src(%arg7 : memref<128x512xi32, #tpu.memory_space<vmem>>) dst(%dma_wait3A_16 : memref<9984x512xi32, #tpu.memory_space<hbm>>)
    return
  }
}

#map = affine_map<(d0, d1) -> (0, 0)>
#map1 = affine_map<(d0, d1) -> (0)>
module attributes {stable_mosaic.version = 14 : i64} {
  func.func @_gather(%arg0: i32, %arg1: i32, %arg2: memref<9984x512xi32, #tpu.memory_space<hbm>>, %arg3: memref<8192xi32, #tpu.memory_space<hbm>>, %arg4: memref<4096x512xi32, #tpu.memory_space<hbm>>, %arg5: memref<4096x512xi32, #tpu.memory_space<hbm>>, %arg6: memref<128xi32, #tpu.memory_space<vmem>>, %arg7: memref<128x512xi32, #tpu.memory_space<vmem>>, %arg8: memref<!tpu.dma_semaphore, #tpu.memory_space<semaphore_mem>>) attributes {dimension_semantics = [#tpu.dimension_semantics<core_parallel>, #tpu.dimension_semantics<subcore_parallel>], iteration_bounds = array<i64: 2, 16>, scalar_prefetch = 0 : i64, scratch_operands = 3 : i64, tpu.core_type = #tpu.core_type<sc_vector_subcore>, window_params = [{transform_indices = #map}, {transform_indices = #map1}, {transform_indices = #map}, {transform_indices = #map}]} {
    %mul3A = arith.constant 2 : i32
    %mul3A_0 = arith.muli %arg1, %mul3A : i32
    %add3A = arith.addi %mul3A_0, %arg0 : i32
    %mul3A_1 = arith.constant 128 : i32
    %mul3A_2 = arith.muli %add3A, %mul3A_1 : i32
    %add3A_3 = arith.constant 0 : i32
    %add3A_4 = arith.addi %mul3A_2, %add3A_3 : i32
    %add3A_5 = arith.constant 0 : i32
    %add3A_6 = arith.addi %add3A_5, %add3A_4 : i32
    "tpu.region"() ({
      %run_scoped3A = tpu.sem_alloc : memref<!tpu.dma_semaphore, #tpu.memory_space<semaphore_mem>>
      %dma_start3A_19 = tpu.memref_slice %arg3[%add3A_6] : memref<8192xi32, #tpu.memory_space<hbm>> -> memref<128xi32, #tpu.memory_space<hbm>>
      %dma_start3A_20 = tpu.memref_slice %arg3[%add3A_6] : memref<8192xi32, #tpu.memory_space<hbm>> -> memref<128xi32, #tpu.memory_space<hbm>>
      tpu.enqueue_dma source(%dma_start3A_20 : memref<128xi32, #tpu.memory_space<hbm>>) target(%arg6 : memref<128xi32, #tpu.memory_space<vmem>>) target_semaphore(%run_scoped3A : memref<!tpu.dma_semaphore, #tpu.memory_space<semaphore_mem>>)
      %dma_wait3A_21 = tpu.memref_slice %arg3[%add3A_6] : memref<8192xi32, #tpu.memory_space<hbm>> -> memref<128xi32, #tpu.memory_space<hbm>>
      %dma_wait3A_22 = tpu.memref_slice %arg3[%add3A_6] : memref<8192xi32, #tpu.memory_space<hbm>> -> memref<128xi32, #tpu.memory_space<hbm>>
      tpu.wait_dma2 semaphore(%run_scoped3A : memref<!tpu.dma_semaphore, #tpu.memory_space<semaphore_mem>>) src(%dma_wait3A_22 : memref<128xi32, #tpu.memory_space<hbm>>) dst(%arg6 : memref<128xi32, #tpu.memory_space<vmem>>)
      tpu.yield
    }) : () -> ()
    %dma_start3A = arith.constant 0 : i32
    %dma_start3A_7 = arith.constant 0 : i32
    %dma_start3A_8 = tpu.memref_slice %arg2[%dma_start3A, %dma_start3A_7] : memref<9984x512xi32, #tpu.memory_space<hbm>> -> memref<9984x512xi32, #tpu.memory_space<hbm>>
    tpu.enqueue_indirect_dma source(%dma_start3A_8 : memref<9984x512xi32, #tpu.memory_space<hbm>>) target(%arg7 : memref<128x512xi32, #tpu.memory_space<vmem>>) offsets(%arg6 : memref<128xi32, #tpu.memory_space<vmem>>) semaphore(%arg8 : memref<!tpu.dma_semaphore, #tpu.memory_space<semaphore_mem>>)
    %dma_wait3A = arith.constant 0 : i32
    %dma_wait3A_9 = arith.constant 0 : i32
    %dma_wait3A_10 = tpu.memref_slice %arg2[%dma_wait3A, %dma_wait3A_9] : memref<9984x512xi32, #tpu.memory_space<hbm>> -> memref<9984x512xi32, #tpu.memory_space<hbm>>
    tpu.wait_indirect_dma semaphore(%arg8 : memref<!tpu.dma_semaphore, #tpu.memory_space<semaphore_mem>>) src(%dma_wait3A_10 : memref<9984x512xi32, #tpu.memory_space<hbm>>) dst(%arg7 : memref<128x512xi32, #tpu.memory_space<vmem>>)
    "tpu.region"() ({
      %run_scoped3A = tpu.sem_alloc : memref<!tpu.dma_semaphore, #tpu.memory_space<semaphore_mem>>
      %dma_start3A_19 = arith.constant 0 : i32
      %dma_start3A_20 = tpu.memref_slice %arg4[%add3A_4, %dma_start3A_19] : memref<4096x512xi32, #tpu.memory_space<hbm>> -> memref<128x512xi32, #tpu.memory_space<hbm>>
      %dma_start3A_21 = arith.constant 0 : i32
      %dma_start3A_22 = tpu.memref_slice %arg4[%add3A_4, %dma_start3A_21] : memref<4096x512xi32, #tpu.memory_space<hbm>> -> memref<128x512xi32, #tpu.memory_space<hbm>>
      tpu.enqueue_dma source(%arg7 : memref<128x512xi32, #tpu.memory_space<vmem>>) target(%dma_start3A_22 : memref<128x512xi32, #tpu.memory_space<hbm>>) target_semaphore(%run_scoped3A : memref<!tpu.dma_semaphore, #tpu.memory_space<semaphore_mem>>)
      %dma_wait3A_23 = arith.constant 0 : i32
      %dma_wait3A_24 = tpu.memref_slice %arg4[%add3A_4, %dma_wait3A_23] : memref<4096x512xi32, #tpu.memory_space<hbm>> -> memref<128x512xi32, #tpu.memory_space<hbm>>
      %dma_wait3A_25 = arith.constant 0 : i32
      %dma_wait3A_26 = tpu.memref_slice %arg4[%add3A_4, %dma_wait3A_25] : memref<4096x512xi32, #tpu.memory_space<hbm>> -> memref<128x512xi32, #tpu.memory_space<hbm>>
      tpu.wait_dma2 semaphore(%run_scoped3A : memref<!tpu.dma_semaphore, #tpu.memory_space<semaphore_mem>>) src(%arg7 : memref<128x512xi32, #tpu.memory_space<vmem>>) dst(%dma_wait3A_26 : memref<128x512xi32, #tpu.memory_space<hbm>>)
      tpu.yield
    }) : () -> ()
    %add3A_11 = arith.constant 4096 : i32
    %add3A_12 = arith.addi %add3A_11, %add3A_4 : i32
    "tpu.region"() ({
      %run_scoped3A = tpu.sem_alloc : memref<!tpu.dma_semaphore, #tpu.memory_space<semaphore_mem>>
      %dma_start3A_19 = tpu.memref_slice %arg3[%add3A_12] : memref<8192xi32, #tpu.memory_space<hbm>> -> memref<128xi32, #tpu.memory_space<hbm>>
      %dma_start3A_20 = tpu.memref_slice %arg3[%add3A_12] : memref<8192xi32, #tpu.memory_space<hbm>> -> memref<128xi32, #tpu.memory_space<hbm>>
      tpu.enqueue_dma source(%dma_start3A_20 : memref<128xi32, #tpu.memory_space<hbm>>) target(%arg6 : memref<128xi32, #tpu.memory_space<vmem>>) target_semaphore(%run_scoped3A : memref<!tpu.dma_semaphore, #tpu.memory_space<semaphore_mem>>)
      %dma_wait3A_21 = tpu.memref_slice %arg3[%add3A_12] : memref<8192xi32, #tpu.memory_space<hbm>> -> memref<128xi32, #tpu.memory_space<hbm>>
      %dma_wait3A_22 = tpu.memref_slice %arg3[%add3A_12] : memref<8192xi32, #tpu.memory_space<hbm>> -> memref<128xi32, #tpu.memory_space<hbm>>
      tpu.wait_dma2 semaphore(%run_scoped3A : memref<!tpu.dma_semaphore, #tpu.memory_space<semaphore_mem>>) src(%dma_wait3A_22 : memref<128xi32, #tpu.memory_space<hbm>>) dst(%arg6 : memref<128xi32, #tpu.memory_space<vmem>>)
      tpu.yield
    }) : () -> ()
    %dma_start3A_13 = arith.constant 0 : i32
    %dma_start3A_14 = arith.constant 0 : i32
    %dma_start3A_15 = tpu.memref_slice %arg2[%dma_start3A_13, %dma_start3A_14] : memref<9984x512xi32, #tpu.memory_space<hbm>> -> memref<9984x512xi32, #tpu.memory_space<hbm>>
    tpu.enqueue_indirect_dma source(%dma_start3A_15 : memref<9984x512xi32, #tpu.memory_space<hbm>>) target(%arg7 : memref<128x512xi32, #tpu.memory_space<vmem>>) offsets(%arg6 : memref<128xi32, #tpu.memory_space<vmem>>) semaphore(%arg8 : memref<!tpu.dma_semaphore, #tpu.memory_space<semaphore_mem>>)
    %dma_wait3A_16 = arith.constant 0 : i32
    %dma_wait3A_17 = arith.constant 0 : i32
    %dma_wait3A_18 = tpu.memref_slice %arg2[%dma_wait3A_16, %dma_wait3A_17] : memref<9984x512xi32, #tpu.memory_space<hbm>> -> memref<9984x512xi32, #tpu.memory_space<hbm>>
    tpu.wait_indirect_dma semaphore(%arg8 : memref<!tpu.dma_semaphore, #tpu.memory_space<semaphore_mem>>) src(%dma_wait3A_18 : memref<9984x512xi32, #tpu.memory_space<hbm>>) dst(%arg7 : memref<128x512xi32, #tpu.memory_space<vmem>>)
    "tpu.region"() ({
      %run_scoped3A = tpu.sem_alloc : memref<!tpu.dma_semaphore, #tpu.memory_space<semaphore_mem>>
      %dma_start3A_19 = arith.constant 0 : i32
      %dma_start3A_20 = tpu.memref_slice %arg5[%add3A_4, %dma_start3A_19] : memref<4096x512xi32, #tpu.memory_space<hbm>> -> memref<128x512xi32, #tpu.memory_space<hbm>>
      %dma_start3A_21 = arith.constant 0 : i32
      %dma_start3A_22 = tpu.memref_slice %arg5[%add3A_4, %dma_start3A_21] : memref<4096x512xi32, #tpu.memory_space<hbm>> -> memref<128x512xi32, #tpu.memory_space<hbm>>
      tpu.enqueue_dma source(%arg7 : memref<128x512xi32, #tpu.memory_space<vmem>>) target(%dma_start3A_22 : memref<128x512xi32, #tpu.memory_space<hbm>>) target_semaphore(%run_scoped3A : memref<!tpu.dma_semaphore, #tpu.memory_space<semaphore_mem>>)
      %dma_wait3A_23 = arith.constant 0 : i32
      %dma_wait3A_24 = tpu.memref_slice %arg5[%add3A_4, %dma_wait3A_23] : memref<4096x512xi32, #tpu.memory_space<hbm>> -> memref<128x512xi32, #tpu.memory_space<hbm>>
      %dma_wait3A_25 = arith.constant 0 : i32
      %dma_wait3A_26 = tpu.memref_slice %arg5[%add3A_4, %dma_wait3A_25] : memref<4096x512xi32, #tpu.memory_space<hbm>> -> memref<128x512xi32, #tpu.memory_space<hbm>>
      tpu.wait_dma2 semaphore(%run_scoped3A : memref<!tpu.dma_semaphore, #tpu.memory_space<semaphore_mem>>) src(%arg7 : memref<128x512xi32, #tpu.memory_space<vmem>>) dst(%dma_wait3A_26 : memref<128x512xi32, #tpu.memory_space<hbm>>)
      tpu.yield
    }) : () -> ()
    return
  }
}

module attributes {stable_mosaic.version = 14 : i64} {
  func.func @_ln_body(%arg0: i32, %arg1: memref<512x512xi32, #tpu.memory_space<vmem>>, %arg2: memref<512x512xi32, #tpu.memory_space<vmem>>, %arg3: memref<512x1xf32, #tpu.memory_space<vmem>>, %arg4: memref<512x1xf32, #tpu.memory_space<vmem>>, %arg5: memref<1024xf32, #tpu.memory_space<vmem>>, %arg6: memref<1024xf32, #tpu.memory_space<vmem>>, %arg7: memref<512x1024xf32, #tpu.memory_space<vmem>>) attributes {dimension_semantics = [#tpu.dimension_semantics<arbitrary>], iteration_bounds = array<i64: 8>, scalar_prefetch = 0 : i64, scratch_operands = 0 : i64, tpu.core_type = #tpu.core_type<tc>, window_params = [{transform_indices = @transform_0, window_bounds = array<i64: 512, 512>}, {transform_indices = @transform_1, window_bounds = array<i64: 512, 512>}, {transform_indices = @transform_2, window_bounds = array<i64: 512, 1>}, {transform_indices = @transform_3, window_bounds = array<i64: 512, 1>}, {pipeline_mode = #tpu.pipeline_mode<synchronous>, transform_indices = @transform_4, window_bounds = array<i64: 1024>}, {pipeline_mode = #tpu.pipeline_mode<synchronous>, transform_indices = @transform_5, window_bounds = array<i64: 1024>}, {transform_indices = @transform_6, window_bounds = array<i64: 512, 1024>}]} {
    %get3A = arith.constant 0 : index
    %get3A_0 = arith.constant 0 : index
    %get3A_1 = vector.load %arg1[%get3A, %get3A_0] : memref<512x512xi32, #tpu.memory_space<vmem>>, vector<512x512xi32>
    %bitcast3A = tpu.bitcast %get3A_1 : vector<512x512xi32> -> vector<512x512xi32>
    %unpack_elementwise3A = tpu.unpack_elementwise %bitcast3A, 0 {source_type = bf16} : vector<512x512xi32> -> vector<512x512xf32>
    %unpack_elementwise3A_2 = tpu.unpack_elementwise %bitcast3A, 1 {source_type = bf16} : vector<512x512xi32> -> vector<512x512xf32>
    %concatenate3A = tpu.concatenate %unpack_elementwise3A, %unpack_elementwise3A_2 in 1 : vector<512x512xf32>, vector<512x512xf32> -> vector<512x1024xf32>
    %get3A_3 = arith.constant 0 : index
    %get3A_4 = arith.constant 0 : index
    %get3A_5 = vector.load %arg2[%get3A_3, %get3A_4] : memref<512x512xi32, #tpu.memory_space<vmem>>, vector<512x512xi32>
    %bitcast3A_6 = tpu.bitcast %get3A_5 : vector<512x512xi32> -> vector<512x512xi32>
    %unpack_elementwise3A_7 = tpu.unpack_elementwise %bitcast3A_6, 0 {source_type = bf16} : vector<512x512xi32> -> vector<512x512xf32>
    %unpack_elementwise3A_8 = tpu.unpack_elementwise %bitcast3A_6, 1 {source_type = bf16} : vector<512x512xi32> -> vector<512x512xf32>
    %concatenate3A_9 = tpu.concatenate %unpack_elementwise3A_7, %unpack_elementwise3A_8 in 1 : vector<512x512xf32>, vector<512x512xf32> -> vector<512x1024xf32>
    %get3A_10 = arith.constant 0 : index
    %get3A_11 = arith.constant 0 : index
    %get3A_12 = vector.load %arg3[%get3A_10, %get3A_11] : memref<512x1xf32, #tpu.memory_space<vmem>>, vector<512x1xf32>
    %mul3A = vector.broadcast %get3A_12 : vector<512x1xf32> to vector<512x1024xf32>
    %mul3A_13 = arith.mulf %mul3A, %concatenate3A : vector<512x1024xf32>
    %get3A_14 = arith.constant 0 : index
    %get3A_15 = arith.constant 0 : index
    %get3A_16 = vector.load %arg4[%get3A_14, %get3A_15] : memref<512x1xf32, #tpu.memory_space<vmem>>, vector<512x1xf32>
    %mul3A_17 = vector.broadcast %get3A_16 : vector<512x1xf32> to vector<512x1024xf32>
    %mul3A_18 = arith.mulf %mul3A_17, %concatenate3A_9 : vector<512x1024xf32>
    %add3A = arith.addf %mul3A_13, %mul3A_18 : vector<512x1024xf32>
    %reduce_sum3A = arith.constant dense<0.000000e+00> : vector<512xf32>
    %reduce_sum3A_19 = vector.multi_reduction <add>, %add3A, %reduce_sum3A [1] : vector<512x1024xf32> to vector<512xf32>
    %broadcast_in_dim3A = vector.shape_cast %reduce_sum3A_19 : vector<512xf32> to vector<512x1xf32>
    %div3A = arith.constant 1.024000e+03 : f32
    %div3A_20 = vector.broadcast %div3A : f32 to vector<512x1xf32>
    %div3A_21 = arith.divf %broadcast_in_dim3A, %div3A_20 : vector<512x1xf32>
    %sub3A = vector.broadcast %div3A_21 : vector<512x1xf32> to vector<512x1024xf32>
    %sub3A_22 = arith.subf %add3A, %sub3A : vector<512x1024xf32>
    %integer_pow3A = arith.mulf %sub3A_22, %sub3A_22 : vector<512x1024xf32>
    %reduce_sum3A_23 = arith.constant dense<0.000000e+00> : vector<512xf32>
    %reduce_sum3A_24 = vector.multi_reduction <add>, %integer_pow3A, %reduce_sum3A_23 [1] : vector<512x1024xf32> to vector<512xf32>
    %broadcast_in_dim3A_25 = vector.shape_cast %reduce_sum3A_24 : vector<512xf32> to vector<512x1xf32>
    %div3A_26 = arith.constant 1.024000e+03 : f32
    %div3A_27 = vector.broadcast %div3A_26 : f32 to vector<512x1xf32>
    %div3A_28 = arith.divf %broadcast_in_dim3A_25, %div3A_27 : vector<512x1xf32>
    %sub3A_29 = vector.broadcast %div3A_21 : vector<512x1xf32> to vector<512x1024xf32>
    %sub3A_30 = arith.subf %add3A, %sub3A_29 : vector<512x1024xf32>
    %add3A_31 = arith.constant 9.99999974E-6 : f32
    %add3A_32 = vector.broadcast %add3A_31 : f32 to vector<512x1xf32>
    %add3A_33 = arith.addf %div3A_28, %add3A_32 : vector<512x1xf32>
    %rsqrt3A = math.rsqrt %add3A_33 : vector<512x1xf32>
    %mul3A_34 = vector.broadcast %rsqrt3A : vector<512x1xf32> to vector<512x1024xf32>
    %mul3A_35 = arith.mulf %sub3A_30, %mul3A_34 : vector<512x1024xf32>
    %get3A_36 = arith.constant 0 : index
    %get3A_37 = vector.load %arg5[%get3A_36] : memref<1024xf32, #tpu.memory_space<vmem>>, vector<1024xf32>
    %broadcast_in_dim3A_38 = vector.shape_cast %get3A_37 : vector<1024xf32> to vector<1x1024xf32>
    %mul3A_39 = vector.broadcast %broadcast_in_dim3A_38 : vector<1x1024xf32> to vector<512x1024xf32>
    %mul3A_40 = arith.mulf %mul3A_35, %mul3A_39 : vector<512x1024xf32>
    %get3A_41 = arith.constant 0 : index
    %get3A_42 = vector.load %arg6[%get3A_41] : memref<1024xf32, #tpu.memory_space<vmem>>, vector<1024xf32>
    %broadcast_in_dim3A_43 = vector.shape_cast %get3A_42 : vector<1024xf32> to vector<1x1024xf32>
    %add3A_44 = vector.broadcast %broadcast_in_dim3A_43 : vector<1x1024xf32> to vector<512x1024xf32>
    %add3A_45 = arith.addf %mul3A_40, %add3A_44 : vector<512x1024xf32>
    %swap3A = arith.constant 0 : index
    %swap3A_46 = arith.constant 0 : index
    %swap3A_47 = vector.load %arg7[%swap3A, %swap3A_46] : memref<512x1024xf32, #tpu.memory_space<vmem>>, vector<512x1024xf32>
    tpu.vector_store %arg7[%swap3A, %swap3A_46], %add3A_45 {strides = array<i32>} : memref<512x1024xf32, #tpu.memory_space<vmem>>, vector<512x1024xf32>,
    return
  }
  func.func @transform_0(%arg0: i32) -> (i32, i32) {
    %c0_i32 = arith.constant 0 : i32
    %c0_i32_0 = arith.constant 0 : i32
    return %arg0, %c0_i32 : i32, i32
  }
  func.func @transform_1(%arg0: i32) -> (i32, i32) {
    %c0_i32 = arith.constant 0 : i32
    %c0_i32_0 = arith.constant 0 : i32
    return %arg0, %c0_i32 : i32, i32
  }
  func.func @transform_2(%arg0: i32) -> (i32, i32) {
    %c0_i32 = arith.constant 0 : i32
    %c0_i32_0 = arith.constant 0 : i32
    return %arg0, %c0_i32 : i32, i32
  }
  func.func @transform_3(%arg0: i32) -> (i32, i32) {
    %c0_i32 = arith.constant 0 : i32
    %c0_i32_0 = arith.constant 0 : i32
    return %arg0, %c0_i32 : i32, i32
  }
  func.func @transform_4(%arg0: i32) -> i32 {
    %c0_i32 = arith.constant 0 : i32
    %c0_i32_0 = arith.constant 0 : i32
    return %c0_i32 : i32
  }
  func.func @transform_5(%arg0: i32) -> i32 {
    %c0_i32 = arith.constant 0 : i32
    %c0_i32_0 = arith.constant 0 : i32
    return %c0_i32 : i32
  }
  func.func @transform_6(%arg0: i32) -> (i32, i32) {
    %c0_i32 = arith.constant 0 : i32
    %c0_i32_0 = arith.constant 0 : i32
    return %arg0, %c0_i32 : i32, i32
  }
}

module attributes {stable_mosaic.version = 14 : i64} {
  func.func @_gmm_body(%arg0: i32, %arg1: memref<39x1xi32, #tpu.memory_space<smem>>, %arg2: memref<256x512xi32, #tpu.memory_space<vmem>>, %arg3: memref<1x512x1024xf32, #tpu.memory_space<vmem>>, %arg4: memref<1x1024x512xf32, #tpu.memory_space<vmem>>, %arg5: memref<256x512xi32, #tpu.memory_space<vmem>>) attributes {dimension_semantics = [#tpu.dimension_semantics<arbitrary>], iteration_bounds = array<i64: 39>, scalar_prefetch = 1 : i64, scratch_operands = 0 : i64, tpu.core_type = #tpu.core_type<tc>, window_params = [{transform_indices = @transform_0, window_bounds = array<i64: 256, 512>}, {transform_indices = @transform_1, window_bounds = array<i64: 1, 512, 1024>}, {transform_indices = @transform_2, window_bounds = array<i64: 1, 1024, 512>}, {transform_indices = @transform_3, window_bounds = array<i64: 256, 512>}]} {
    %get3A = arith.index_cast %arg0 : i32 to index
    %get3A_0 = arith.constant 0 : index
    %get3A_1 = memref.load %arg1[%get3A, %get3A_0] : memref<39x1xi32, #tpu.memory_space<smem>>
    %lt3A = arith.constant 8 : i32
    %lt3A_2 = arith.cmpi slt, %get3A_1, %lt3A : i32
    %convert_element_type3A = arith.extui %lt3A_2 : i1 to i32
    %cond3A = arith.constant 0 : i32
    %cond3A_3 = arith.cmpi ne, %convert_element_type3A, %cond3A : i32
    scf.if %cond3A_3 {
      %get3A_4 = arith.constant 0 : index
      %get3A_5 = arith.constant 0 : index
      %get3A_6 = vector.load %arg2[%get3A_4, %get3A_5] : memref<256x512xi32, #tpu.memory_space<vmem>>, vector<256x512xi32>
      %bitcast3A = tpu.bitcast %get3A_6 : vector<256x512xi32> -> vector<256x512xi32>
      %unpack_elementwise3A = tpu.unpack_elementwise %bitcast3A, 0 {source_type = bf16} : vector<256x512xi32> -> vector<256x512xf32>
      %unpack_elementwise3A_7 = tpu.unpack_elementwise %bitcast3A, 1 {source_type = bf16} : vector<256x512xi32> -> vector<256x512xf32>
      %concatenate3A = tpu.concatenate %unpack_elementwise3A, %unpack_elementwise3A_7 in 1 : vector<256x512xf32>, vector<256x512xf32> -> vector<256x1024xf32>
      %get3A_8 = arith.constant 0 : index
      %get3A_9 = arith.constant 0 : index
      %get3A_10 = arith.constant 0 : index
      %get3A_11 = vector.load %arg3[%get3A_8, %get3A_9, %get3A_10] : memref<1x512x1024xf32, #tpu.memory_space<vmem>>, vector<1x512x1024xf32>
      %get3A_12 = vector.shape_cast %get3A_11 : vector<1x512x1024xf32> to vector<512x1024xf32>
      %dot_general3A = arith.constant dense<0.000000e+00> : vector<256x512xf32>
      %dot_general3A_13 = tpu.matmul %concatenate3A, %get3A_12, %dot_general3A {dimension_numbers = #tpu.dot_dimension_numbers<[1], [1], [0], [0], [0, 0, 1, 0], [], []>, transpose_lhs_hint = false} : vector<256x1024xf32>, vector<512x1024xf32>, vector<256x512xf32> -> vector<256x512xf32>
      %logistic3A = arith.negf %dot_general3A_13 : vector<256x512xf32>
      %logistic3A_14 = math.exp %logistic3A : vector<256x512xf32>
      %logistic3A_15 = arith.constant 1.000000e+00 : f32
      %logistic3A_16 = vector.broadcast %logistic3A_15 : f32 to vector<256x512xf32>
      %logistic3A_17 = arith.addf %logistic3A_16, %logistic3A_14 : vector<256x512xf32>
      %logistic3A_18 = arith.divf %logistic3A_16, %logistic3A_17 : vector<256x512xf32>
      %mul3A = arith.mulf %dot_general3A_13, %logistic3A_18 : vector<256x512xf32>
      %get3A_19 = arith.constant 0 : index
      %get3A_20 = arith.constant 0 : index
      %get3A_21 = arith.constant 0 : index
      %get3A_22 = vector.load %arg4[%get3A_19, %get3A_20, %get3A_21] : memref<1x1024x512xf32, #tpu.memory_space<vmem>>, vector<1x1024x512xf32>
      %get3A_23 = vector.shape_cast %get3A_22 : vector<1x1024x512xf32> to vector<1024x512xf32>
      %dot_general3A_24 = arith.constant dense<0.000000e+00> : vector<256x1024xf32>
      %dot_general3A_25 = tpu.matmul %mul3A, %get3A_23, %dot_general3A_24 {dimension_numbers = #tpu.dot_dimension_numbers<[1], [1], [0], [0], [0, 0, 1, 0], [], []>, transpose_lhs_hint = false} : vector<256x512xf32>, vector<1024x512xf32>, vector<256x1024xf32> -> vector<256x1024xf32>
      %slice3A = vector.extract_strided_slice %dot_general3A_25 {offsets = [0, 0], sizes = [256, 512], strides = [1, 1]} : vector<256x1024xf32> to vector<256x512xf32>
      %slice3A_26 = vector.extract_strided_slice %dot_general3A_25 {offsets = [0, 512], sizes = [256, 512], strides = [1, 1]} : vector<256x1024xf32> to vector<256x512xf32>
      %pack_elementwise3A = tpu.pack_elementwise %slice3A, %slice3A_26 {target_type = bf16} : vector<256x512xf32>, vector<256x512xf32> -> vector<256x512xi32>
      %bitcast3A_27 = tpu.bitcast %pack_elementwise3A : vector<256x512xi32> -> vector<256x512xi32>
      %swap3A = arith.constant 0 : index
      %swap3A_28 = arith.constant 0 : index
      %swap3A_29 = vector.load %arg5[%swap3A, %swap3A_28] : memref<256x512xi32, #tpu.memory_space<vmem>>, vector<256x512xi32>
      tpu.vector_store %arg5[%swap3A, %swap3A_28], %bitcast3A_27 {strides = array<i32>} : memref<256x512xi32, #tpu.memory_space<vmem>>, vector<256x512xi32>,
    } else {
    }
    return
  }
  func.func @transform_0(%arg0: i32, %arg1: memref<39x1xi32, #tpu.memory_space<smem>>) -> (i32, i32) {
    %c0_i32 = arith.constant 0 : i32
    %c0_i32_0 = arith.constant 0 : i32
    return %arg0, %c0_i32 : i32, i32
  }
  func.func @transform_1(%arg0: i32, %arg1: memref<39x1xi32, #tpu.memory_space<smem>>) -> (i32, i32, i32) {
    %get3A = arith.index_cast %arg0 : i32 to index
    %get3A_0 = arith.constant 0 : index
    %get3A_1 = memref.load %arg1[%get3A, %get3A_0] : memref<39x1xi32, #tpu.memory_space<smem>>
    %min3A = arith.constant 7 : i32
    %min3A_2 = arith.minsi %get3A_1, %min3A : i32
    %c0_i32 = arith.constant 0 : i32
    %c0_i32_3 = arith.constant 0 : i32
    %c0_i32_4 = arith.constant 0 : i32
    return %min3A_2, %c0_i32, %c0_i32_3 : i32, i32, i32
  }
  func.func @transform_2(%arg0: i32, %arg1: memref<39x1xi32, #tpu.memory_space<smem>>) -> (i32, i32, i32) {
    %get3A = arith.index_cast %arg0 : i32 to index
    %get3A_0 = arith.constant 0 : index
    %get3A_1 = memref.load %arg1[%get3A, %get3A_0] : memref<39x1xi32, #tpu.memory_space<smem>>
    %min3A = arith.constant 7 : i32
    %min3A_2 = arith.minsi %get3A_1, %min3A : i32
    %c0_i32 = arith.constant 0 : i32
    %c0_i32_3 = arith.constant 0 : i32
    %c0_i32_4 = arith.constant 0 : i32
    return %min3A_2, %c0_i32, %c0_i32_3 : i32, i32, i32
  }
  func.func @transform_3(%arg0: i32, %arg1: memref<39x1xi32, #tpu.memory_space<smem>>) -> (i32, i32) {
    %c0_i32 = arith.constant 0 : i32
    %c0_i32_0 = arith.constant 0 : i32
    return %arg0, %c0_i32 : i32, i32
  }
}

module attributes {stable_mosaic.version = 14 : i64} {
  func.func @_router_body(%arg0: i32, %arg1: memref<4096x1024xf32, #tpu.memory_space<vmem>>, %arg2: memref<8x1024xf32, #tpu.memory_space<vmem>>, %arg3: memref<4096x512xi32, #tpu.memory_space<vmem>>, %arg4: memref<4096x1xf32, #tpu.memory_space<vmem>>, %arg5: memref<4096x1xf32, #tpu.memory_space<vmem>>, %arg6: memref<8192x1xi32, #tpu.memory_space<vmem>>, %arg7: memref<39x1xi32, #tpu.memory_space<vmem>>, %arg8: memref<8192x8xf32, #tpu.memory_space<vmem>>, %arg9: memref<8192x8xf32, #tpu.memory_space<vmem>>, %arg10: memref<64x8xf32, #tpu.memory_space<vmem>>, %arg11: memref<64x8xf32, #tpu.memory_space<vmem>>) attributes {dimension_semantics = [#tpu.dimension_semantics<arbitrary>], iteration_bounds = array<i64: 1>, scalar_prefetch = 0 : i64, scratch_operands = 4 : i64, tpu.core_type = #tpu.core_type<tc>, window_params = [{pipeline_mode = #tpu.pipeline_mode<synchronous>, transform_indices = @transform_0, window_bounds = array<i64: 4096, 1024>}, {pipeline_mode = #tpu.pipeline_mode<synchronous>, transform_indices = @transform_1, window_bounds = array<i64: 8, 1024>}, {pipeline_mode = #tpu.pipeline_mode<synchronous>, transform_indices = @transform_2, window_bounds = array<i64: 4096, 512>}, {pipeline_mode = #tpu.pipeline_mode<synchronous>, transform_indices = @transform_3, window_bounds = array<i64: 4096, 1>}, {pipeline_mode = #tpu.pipeline_mode<synchronous>, transform_indices = @transform_4, window_bounds = array<i64: 4096, 1>}, {pipeline_mode = #tpu.pipeline_mode<synchronous>, transform_indices = @transform_5, window_bounds = array<i64: 8192, 1>}, {pipeline_mode = #tpu.pipeline_mode<synchronous>, transform_indices = @transform_6, window_bounds = array<i64: 39, 1>}]} {
    %get3A = arith.constant 0 : index
    %get3A_0 = arith.constant 0 : index
    %get3A_1 = vector.load %arg1[%get3A, %get3A_0] : memref<4096x1024xf32, #tpu.memory_space<vmem>>, vector<4096x1024xf32>
    %slice3A = vector.extract_strided_slice %get3A_1 {offsets = [0, 0], sizes = [4096, 512], strides = [1, 1]} : vector<4096x1024xf32> to vector<4096x512xf32>
    %slice3A_2 = vector.extract_strided_slice %get3A_1 {offsets = [0, 512], sizes = [4096, 512], strides = [1, 1]} : vector<4096x1024xf32> to vector<4096x512xf32>
    %pack_elementwise3A = tpu.pack_elementwise %slice3A, %slice3A_2 {target_type = bf16} : vector<4096x512xf32>, vector<4096x512xf32> -> vector<4096x512xi32>
    %bitcast3A = tpu.bitcast %pack_elementwise3A : vector<4096x512xi32> -> vector<4096x512xi32>
    %swap3A = arith.constant 0 : index
    %swap3A_3 = arith.constant 0 : index
    %swap3A_4 = vector.load %arg3[%swap3A, %swap3A_3] : memref<4096x512xi32, #tpu.memory_space<vmem>>, vector<4096x512xi32>
    tpu.vector_store %arg3[%swap3A, %swap3A_3], %bitcast3A {strides = array<i32>} : memref<4096x512xi32, #tpu.memory_space<vmem>>, vector<4096x512xi32>,
    %get3A_5 = arith.constant 0 : index
    %get3A_6 = arith.constant 0 : index
    %get3A_7 = vector.load %arg2[%get3A_5, %get3A_6] : memref<8x1024xf32, #tpu.memory_space<vmem>>, vector<8x1024xf32>
    %dot_general3A = arith.constant dense<0.000000e+00> : vector<4096x8xf32>
    %dot_general3A_8 = tpu.matmul %get3A_1, %get3A_7, %dot_general3A {dimension_numbers = #tpu.dot_dimension_numbers<[1], [1], [0], [0], [0, 0, 1, 0], [], []>, transpose_lhs_hint = false} : vector<4096x1024xf32>, vector<8x1024xf32>, vector<4096x8xf32> -> vector<4096x8xf32>
    %iota3A = tpu.iota {dimensions = array<i32: 1>} : vector<4096x8xi32>
    %reduce_max3A = arith.constant dense<0xFF800000> : vector<4096xf32>
    %reduce_max3A_9 = vector.multi_reduction <maximumf>, %dot_general3A_8, %reduce_max3A [1] : vector<4096x8xf32> to vector<4096xf32>
    %broadcast_in_dim3A = vector.shape_cast %reduce_max3A_9 : vector<4096xf32> to vector<4096x1xf32>
    %eq3A = vector.broadcast %broadcast_in_dim3A : vector<4096x1xf32> to vector<4096x8xf32>
    %eq3A_10 = arith.cmpf oeq, %dot_general3A_8, %eq3A : vector<4096x8xf32>
    %jit3A = arith.constant 8 : i32
    %broadcast_in_dim3A_11 = vector.broadcast %jit3A : i32 to vector<4096x8xi32>
    %select_n3A = arith.select %eq3A_10, %iota3A, %broadcast_in_dim3A_11 : vector<4096x8xi1>, vector<4096x8xi32>
    %reduce_min3A = arith.constant dense<2147483647> : vector<4096xi32>
    %reduce_min3A_12 = vector.multi_reduction <minsi>, %select_n3A, %reduce_min3A [1] : vector<4096x8xi32> to vector<4096xi32>
    %broadcast_in_dim3A_13 = vector.shape_cast %reduce_min3A_12 : vector<4096xi32> to vector<4096x1xi32>
    %eq3A_14 = vector.broadcast %broadcast_in_dim3A_13 : vector<4096x1xi32> to vector<4096x8xi32>
    %eq3A_15 = arith.cmpi eq, %iota3A, %eq3A_14 : vector<4096x8xi32>
    %jit3A_16 = arith.constant 0xFF800000 : f32
    %broadcast_in_dim3A_17 = vector.broadcast %jit3A_16 : f32 to vector<4096x8xf32>
    %select_n3A_18 = arith.select %eq3A_15, %broadcast_in_dim3A_17, %dot_general3A_8 : vector<4096x8xi1>, vector<4096x8xf32>
    %reduce_max3A_19 = arith.constant dense<0xFF800000> : vector<4096xf32>
    %reduce_max3A_20 = vector.multi_reduction <maximumf>, %select_n3A_18, %reduce_max3A_19 [1] : vector<4096x8xf32> to vector<4096xf32>
    %broadcast_in_dim3A_21 = vector.shape_cast %reduce_max3A_20 : vector<4096xf32> to vector<4096x1xf32>
    %eq3A_22 = vector.broadcast %broadcast_in_dim3A_21 : vector<4096x1xf32> to vector<4096x8xf32>
    %eq3A_23 = arith.cmpf oeq, %select_n3A_18, %eq3A_22 : vector<4096x8xf32>
    %jit3A_24 = arith.constant 8 : i32
    %broadcast_in_dim3A_25 = vector.broadcast %jit3A_24 : i32 to vector<4096x8xi32>
    %select_n3A_26 = arith.select %eq3A_23, %iota3A, %broadcast_in_dim3A_25 : vector<4096x8xi1>, vector<4096x8xi32>
    %reduce_min3A_27 = arith.constant dense<2147483647> : vector<4096xi32>
    %reduce_min3A_28 = vector.multi_reduction <minsi>, %select_n3A_26, %reduce_min3A_27 [1] : vector<4096x8xi32> to vector<4096xi32>
    %broadcast_in_dim3A_29 = vector.shape_cast %reduce_min3A_28 : vector<4096xi32> to vector<4096x1xi32>
    %sub3A = arith.subf %broadcast_in_dim3A, %broadcast_in_dim3A_21 : vector<4096x1xf32>
    %logistic3A = arith.negf %sub3A : vector<4096x1xf32>
    %logistic3A_30 = math.exp %logistic3A : vector<4096x1xf32>
    %logistic3A_31 = arith.constant 1.000000e+00 : f32
    %logistic3A_32 = vector.broadcast %logistic3A_31 : f32 to vector<4096x1xf32>
    %logistic3A_33 = arith.addf %logistic3A_32, %logistic3A_30 : vector<4096x1xf32>
    %logistic3A_34 = arith.divf %logistic3A_32, %logistic3A_33 : vector<4096x1xf32>
    %swap3A_35 = arith.constant 0 : index
    %swap3A_36 = arith.constant 0 : index
    %swap3A_37 = vector.load %arg4[%swap3A_35, %swap3A_36] : memref<4096x1xf32, #tpu.memory_space<vmem>>, vector<4096x1xf32>
    tpu.vector_store %arg4[%swap3A_35, %swap3A_36], %logistic3A_34 {strides = array<i32>} : memref<4096x1xf32, #tpu.memory_space<vmem>>, vector<4096x1xf32>,
    %sub3A_38 = arith.constant 1.000000e+00 : f32
    %sub3A_39 = vector.broadcast %sub3A_38 : f32 to vector<4096x1xf32>
    %sub3A_40 = arith.subf %sub3A_39, %logistic3A_34 : vector<4096x1xf32>
    %swap3A_41 = arith.constant 0 : index
    %swap3A_42 = arith.constant 0 : index
    %swap3A_43 = vector.load %arg5[%swap3A_41, %swap3A_42] : memref<4096x1xf32, #tpu.memory_space<vmem>>, vector<4096x1xf32>
    tpu.vector_store %arg5[%swap3A_41, %swap3A_42], %sub3A_40 {strides = array<i32>} : memref<4096x1xf32, #tpu.memory_space<vmem>>, vector<4096x1xf32>,
    %eq3A_44 = vector.broadcast %broadcast_in_dim3A_13 : vector<4096x1xi32> to vector<4096x8xi32>
    %eq3A_45 = arith.cmpi eq, %iota3A, %eq3A_44 : vector<4096x8xi32>
    %convert_element_type3A = arith.extui %eq3A_45 : vector<4096x8xi1> to vector<4096x8xi32>
    %convert_element_type3A_46 = arith.sitofp %convert_element_type3A : vector<4096x8xi32> to vector<4096x8xf32>
    %swap3A_47 = arith.constant 0 : index
    %swap3A_48 = arith.constant 0 : index
    %swap3A_49 = vector.load %arg8[%swap3A_47, %swap3A_48] : memref<8192x8xf32, #tpu.memory_space<vmem>>, vector<4096x8xf32>
    tpu.vector_store %arg8[%swap3A_47, %swap3A_48], %convert_element_type3A_46 {strides = array<i32>} : memref<8192x8xf32, #tpu.memory_space<vmem>>, vector<4096x8xf32>,
    %eq3A_50 = vector.broadcast %broadcast_in_dim3A_29 : vector<4096x1xi32> to vector<4096x8xi32>
    %eq3A_51 = arith.cmpi eq, %iota3A, %eq3A_50 : vector<4096x8xi32>
    %convert_element_type3A_52 = arith.extui %eq3A_51 : vector<4096x8xi1> to vector<4096x8xi32>
    %convert_element_type3A_53 = arith.sitofp %convert_element_type3A_52 : vector<4096x8xi32> to vector<4096x8xf32>
    %swap3A_54 = arith.constant 4096 : index
    %swap3A_55 = arith.constant 0 : index
    %swap3A_56 = vector.load %arg8[%swap3A_54, %swap3A_55] : memref<8192x8xf32, #tpu.memory_space<vmem>>, vector<4096x8xf32>
    tpu.vector_store %arg8[%swap3A_54, %swap3A_55], %convert_element_type3A_53 {strides = array<i32>} : memref<8192x8xf32, #tpu.memory_space<vmem>>, vector<4096x8xf32>,
    %iota3A_57 = tpu.iota {dimensions = array<i32: 0>} : vector<128x128xi32>
    %iota3A_58 = tpu.iota {dimensions = array<i32: 1>} : vector<128x128xi32>
    %ge3A = arith.cmpi sge, %iota3A_57, %iota3A_58 : vector<128x128xi32>
    %convert_element_type3A_59 = arith.extui %ge3A : vector<128x128xi1> to vector<128x128xi32>
    %convert_element_type3A_60 = arith.sitofp %convert_element_type3A_59 : vector<128x128xi32> to vector<128x128xf32>
    %scan3A = arith.constant 0 : i32
    %scan3A_61 = arith.constant 64 : i32
    %scan3A_62 = arith.addi %scan3A, %scan3A_61 : i32
    %scan3A_63 = arith.constant 1 : i32
    scf.for %scan3A_152 = %scan3A to %scan3A_62 step %scan3A_63  : i32 {
      %mul3A_153 = arith.constant 128 : i32
      %mul3A_154 = arith.muli %scan3A_152, %mul3A_153 : i32
      %get3A_155 = arith.index_cast %mul3A_154 : i32 to index
      %get3A_156 = arith.constant 0 : index
      %get3A_157 = vector.load %arg8[%get3A_155, %get3A_156] : memref<8192x8xf32, #tpu.memory_space<vmem>>, vector<128x8xf32>
      %dot_general3A_158 = arith.constant dense<0.000000e+00> : vector<128x8xf32>
      %dot_general3A_159 = tpu.matmul %convert_element_type3A_60, %get3A_157, %dot_general3A_158 {dimension_numbers = #tpu.dot_dimension_numbers<[1], [0], [0], [1], [0, 0, 1, 1], [], []>, transpose_lhs_hint = false} : vector<128x128xf32>, vector<128x8xf32>, vector<128x8xf32> -> vector<128x8xf32>
      %mul3A_160 = arith.constant 128 : i32
      %mul3A_161 = arith.muli %scan3A_152, %mul3A_160 : i32
      %swap3A_162 = arith.index_cast %mul3A_161 : i32 to index
      %swap3A_163 = arith.constant 0 : index
      %swap3A_164 = vector.load %arg9[%swap3A_162, %swap3A_163] : memref<8192x8xf32, #tpu.memory_space<vmem>>, vector<128x8xf32>
      tpu.vector_store %arg9[%swap3A_162, %swap3A_163], %dot_general3A_159 {strides = array<i32>} : memref<8192x8xf32, #tpu.memory_space<vmem>>, vector<128x8xf32>,
      %slice3A_165 = vector.extract_strided_slice %dot_general3A_159 {offsets = [127, 0], sizes = [1, 8], strides = [1, 1]} : vector<128x8xf32> to vector<1x8xf32>
      %swap3A_166 = arith.index_cast %scan3A_152 : i32 to index
      %swap3A_167 = arith.constant 0 : index
      %swap3A_168 = vector.load %arg10[%swap3A_166, %swap3A_167] : memref<64x8xf32, #tpu.memory_space<vmem>>, vector<1x8xf32>
      tpu.vector_store %arg10[%swap3A_166, %swap3A_167], %slice3A_165 {strides = array<i32>} : memref<64x8xf32, #tpu.memory_space<vmem>>, vector<1x8xf32>,
    }
    %scan3A_64 = arith.constant 64 : i32
    %get3A_65 = arith.constant 0 : index
    %get3A_66 = arith.constant 0 : index
    %get3A_67 = vector.load %arg10[%get3A_65, %get3A_66] : memref<64x8xf32, #tpu.memory_space<vmem>>, vector<64x8xf32>
    %iota3A_68 = tpu.iota {dimensions = array<i32: 1>} : vector<64x64xi32>
    %iota3A_69 = tpu.iota {dimensions = array<i32: 0>} : vector<64x64xi32>
    %lt3A = arith.cmpi slt, %iota3A_68, %iota3A_69 : vector<64x64xi32>
    %convert_element_type3A_70 = arith.extui %lt3A : vector<64x64xi1> to vector<64x64xi32>
    %convert_element_type3A_71 = arith.sitofp %convert_element_type3A_70 : vector<64x64xi32> to vector<64x64xf32>
    %dot_general3A_72 = arith.constant dense<0.000000e+00> : vector<64x8xf32>
    %dot_general3A_73 = tpu.matmul %convert_element_type3A_71, %get3A_67, %dot_general3A_72 {dimension_numbers = #tpu.dot_dimension_numbers<[1], [0], [0], [1], [0, 0, 1, 1], [], []>, transpose_lhs_hint = false} : vector<64x64xf32>, vector<64x8xf32>, vector<64x8xf32> -> vector<64x8xf32>
    %swap3A_74 = arith.constant 0 : index
    %swap3A_75 = arith.constant 0 : index
    %swap3A_76 = vector.load %arg11[%swap3A_74, %swap3A_75] : memref<64x8xf32, #tpu.memory_space<vmem>>, vector<64x8xf32>
    tpu.vector_store %arg11[%swap3A_74, %swap3A_75], %dot_general3A_73 {strides = array<i32>} : memref<64x8xf32, #tpu.memory_space<vmem>>, vector<64x8xf32>,
    %reduce_sum3A = arith.constant dense<0.000000e+00> : vector<8xf32>
    %reduce_sum3A_77 = vector.multi_reduction <add>, %get3A_67, %reduce_sum3A [0] : vector<64x8xf32> to vector<8xf32>
    %broadcast_in_dim3A_78 = vector.shape_cast %reduce_sum3A_77 : vector<8xf32> to vector<1x8xf32>
    %convert_element_type3A_79 = arith.fptosi %broadcast_in_dim3A_78 : vector<1x8xf32> to vector<1x8xi32>
    %add3A = arith.constant 256 : i32
    %add3A_80 = vector.broadcast %add3A : i32 to vector<1x8xi32>
    %add3A_81 = arith.addi %convert_element_type3A_79, %add3A_80 : vector<1x8xi32>
    %sub3A_82 = arith.constant 1 : i32
    %sub3A_83 = vector.broadcast %sub3A_82 : i32 to vector<1x8xi32>
    %sub3A_84 = arith.subi %add3A_81, %sub3A_83 : vector<1x8xi32>
    %jit3A_85 = arith.constant 256 : i32
    %div3A = vector.broadcast %jit3A_85 : i32 to vector<1x8xi32>
    %div3A_86 = arith.divsi %sub3A_84, %div3A : vector<1x8xi32>
    %sign3A = arith.constant 0 : i32
    %sign3A_87 = vector.broadcast %sign3A : i32 to vector<1x8xi32>
    %sign3A_88 = arith.cmpi sgt, %sub3A_84, %sign3A_87 : vector<1x8xi32>
    %sign3A_89 = arith.extui %sign3A_88 : vector<1x8xi1> to vector<1x8xi32>
    %sign3A_90 = arith.constant 0 : i32
    %sign3A_91 = vector.broadcast %sign3A_90 : i32 to vector<1x8xi32>
    %sign3A_92 = arith.cmpi slt, %sub3A_84, %sign3A_91 : vector<1x8xi32>
    %sign3A_93 = arith.extui %sign3A_92 : vector<1x8xi1> to vector<1x8xi32>
    %sign3A_94 = arith.subi %sign3A_89, %sign3A_93 : vector<1x8xi32>
    %sign3A_95 = arith.constant 0 : i32
    %sign3A_96 = arith.cmpi sgt, %jit3A_85, %sign3A_95 : i32
    %sign3A_97 = arith.extui %sign3A_96 : i1 to i32
    %sign3A_98 = arith.constant 0 : i32
    %sign3A_99 = arith.cmpi slt, %jit3A_85, %sign3A_98 : i32
    %sign3A_100 = arith.extui %sign3A_99 : i1 to i32
    %sign3A_101 = arith.subi %sign3A_97, %sign3A_100 : i32
    %ne3A = vector.broadcast %sign3A_101 : i32 to vector<1x8xi32>
    %ne3A_102 = arith.cmpi ne, %sign3A_94, %ne3A : vector<1x8xi32>
    %rem3A = vector.broadcast %jit3A_85 : i32 to vector<1x8xi32>
    %rem3A_103 = arith.remsi %sub3A_84, %rem3A : vector<1x8xi32>
    %ne3A_104 = arith.constant 0 : i32
    %ne3A_105 = vector.broadcast %ne3A_104 : i32 to vector<1x8xi32>
    %ne3A_106 = arith.cmpi ne, %rem3A_103, %ne3A_105 : vector<1x8xi32>
    %and3A = arith.andi %ne3A_102, %ne3A_106 : vector<1x8xi1>
    %sub3A_107 = arith.constant 1 : i32
    %sub3A_108 = vector.broadcast %sub3A_107 : i32 to vector<1x8xi32>
    %sub3A_109 = arith.subi %div3A_86, %sub3A_108 : vector<1x8xi32>
    %select_n3A_110 = arith.select %and3A, %sub3A_109, %div3A_86 : vector<1x8xi1>, vector<1x8xi32>
    %mul3A = arith.constant 256 : i32
    %mul3A_111 = vector.broadcast %mul3A : i32 to vector<1x8xi32>
    %mul3A_112 = arith.muli %select_n3A_110, %mul3A_111 : vector<1x8xi32>
    %iota3A_113 = tpu.iota {dimensions = array<i32: 0>} : vector<8x8xi32>
    %iota3A_114 = tpu.iota {dimensions = array<i32: 1>} : vector<8x8xi32>
    %lt3A_115 = arith.cmpi slt, %iota3A_113, %iota3A_114 : vector<8x8xi32>
    %convert_element_type3A_116 = arith.extui %lt3A_115 : vector<8x8xi1> to vector<8x8xi32>
    %convert_element_type3A_117 = arith.sitofp %convert_element_type3A_116 : vector<8x8xi32> to vector<8x8xf32>
    %convert_element_type3A_118 = arith.sitofp %mul3A_112 : vector<1x8xi32> to vector<1x8xf32>
    %dot_general3A_119 = arith.constant dense<0.000000e+00> : vector<1x8xf32>
    %dot_general3A_120 = tpu.matmul %convert_element_type3A_118, %convert_element_type3A_117, %dot_general3A_119 {dimension_numbers = #tpu.dot_dimension_numbers<[1], [0], [0], [1], [0, 0, 1, 1], [], []>, transpose_lhs_hint = false} : vector<1x8xf32>, vector<8x8xf32>, vector<1x8xf32> -> vector<1x8xf32>
    %reduce_sum3A_121 = arith.constant dense<0> : vector<1xi32>
    %reduce_sum3A_122 = vector.multi_reduction <add>, %mul3A_112, %reduce_sum3A_121 [1] : vector<1x8xi32> to vector<1xi32>
    %broadcast_in_dim3A_123 = vector.shape_cast %reduce_sum3A_122 : vector<1xi32> to vector<1x1xi32>
    %scan3A_124 = arith.constant 0 : i32
    %scan3A_125 = arith.constant 64 : i32
    %scan3A_126 = arith.addi %scan3A_124, %scan3A_125 : i32
    %scan3A_127 = arith.constant 1 : i32
    scf.for %scan3A_152 = %scan3A_124 to %scan3A_126 step %scan3A_127  : i32 {
      %mul3A_153 = arith.constant 128 : i32
      %mul3A_154 = arith.muli %scan3A_152, %mul3A_153 : i32
      %get3A_155 = arith.index_cast %mul3A_154 : i32 to index
      %get3A_156 = arith.constant 0 : index
      %get3A_157 = vector.load %arg8[%get3A_155, %get3A_156] : memref<8192x8xf32, #tpu.memory_space<vmem>>, vector<128x8xf32>
      %mul3A_158 = arith.constant 128 : i32
      %mul3A_159 = arith.muli %scan3A_152, %mul3A_158 : i32
      %get3A_160 = arith.index_cast %mul3A_159 : i32 to index
      %get3A_161 = arith.constant 0 : index
      %get3A_162 = vector.load %arg9[%get3A_160, %get3A_161] : memref<8192x8xf32, #tpu.memory_space<vmem>>, vector<128x8xf32>
      %get3A_163 = arith.index_cast %scan3A_152 : i32 to index
      %get3A_164 = arith.constant 0 : index
      %get3A_165 = vector.load %arg11[%get3A_163, %get3A_164] : memref<64x8xf32, #tpu.memory_space<vmem>>, vector<1x8xf32>
      %sub3A_166 = arith.constant 1.000000e+00 : f32
      %sub3A_167 = vector.broadcast %sub3A_166 : f32 to vector<128x8xf32>
      %sub3A_168 = arith.subf %get3A_162, %sub3A_167 : vector<128x8xf32>
      %add3A_169 = vector.broadcast %get3A_165 : vector<1x8xf32> to vector<128x8xf32>
      %add3A_170 = arith.addf %sub3A_168, %add3A_169 : vector<128x8xf32>
      %add3A_171 = vector.broadcast %dot_general3A_120 : vector<1x8xf32> to vector<128x8xf32>
      %add3A_172 = arith.addf %add3A_170, %add3A_171 : vector<128x8xf32>
      %mul3A_173 = arith.mulf %get3A_157, %add3A_172 : vector<128x8xf32>
      %reduce_sum3A_174 = arith.constant dense<0.000000e+00> : vector<128xf32>
      %reduce_sum3A_175 = vector.multi_reduction <add>, %mul3A_173, %reduce_sum3A_174 [1] : vector<128x8xf32> to vector<128xf32>
      %broadcast_in_dim3A_176 = vector.shape_cast %reduce_sum3A_175 : vector<128xf32> to vector<128x1xf32>
      %convert_element_type3A_177 = arith.fptosi %broadcast_in_dim3A_176 : vector<128x1xf32> to vector<128x1xi32>
      %mul3A_178 = arith.constant 128 : i32
      %mul3A_179 = arith.muli %scan3A_152, %mul3A_178 : i32
      %swap3A_180 = arith.index_cast %mul3A_179 : i32 to index
      %swap3A_181 = arith.constant 0 : index
      %swap3A_182 = vector.load %arg6[%swap3A_180, %swap3A_181] : memref<8192x1xi32, #tpu.memory_space<vmem>>, vector<128x1xi32>
      tpu.vector_store %arg6[%swap3A_180, %swap3A_181], %convert_element_type3A_177 {strides = array<i32>} : memref<8192x1xi32, #tpu.memory_space<vmem>>, vector<128x1xi32>,
    }
    %scan3A_128 = arith.constant 64 : i32
    %iota3A_129 = tpu.iota {dimensions = array<i32: 0>} : vector<64x1xi32>
    %mul3A_130 = arith.constant 256 : i32
    %mul3A_131 = vector.broadcast %mul3A_130 : i32 to vector<64x1xi32>
    %mul3A_132 = arith.muli %iota3A_129, %mul3A_131 : vector<64x1xi32>
    %convert_element_type3A_133 = arith.sitofp %mul3A_132 : vector<64x1xi32> to vector<64x1xf32>
    %le3A = vector.broadcast %dot_general3A_120 : vector<1x8xf32> to vector<64x8xf32>
    %le3A_134 = vector.broadcast %convert_element_type3A_133 : vector<64x1xf32> to vector<64x8xf32>
    %le3A_135 = arith.cmpf ole, %le3A, %le3A_134 : vector<64x8xf32>
    %convert_element_type3A_136 = arith.extui %le3A_135 : vector<64x8xi1> to vector<64x8xi32>
    %reduce_sum3A_137 = arith.constant dense<0> : vector<64xi32>
    %reduce_sum3A_138 = vector.multi_reduction <add>, %convert_element_type3A_136, %reduce_sum3A_137 [1] : vector<64x8xi32> to vector<64xi32>
    %broadcast_in_dim3A_139 = vector.shape_cast %reduce_sum3A_138 : vector<64xi32> to vector<64x1xi32>
    %sub3A_140 = arith.constant 1 : i32
    %sub3A_141 = vector.broadcast %sub3A_140 : i32 to vector<64x1xi32>
    %sub3A_142 = arith.subi %broadcast_in_dim3A_139, %sub3A_141 : vector<64x1xi32>
    %lt3A_143 = vector.broadcast %broadcast_in_dim3A_123 : vector<1x1xi32> to vector<64x1xi32>
    %lt3A_144 = arith.cmpi slt, %mul3A_132, %lt3A_143 : vector<64x1xi32>
    %jit3A_145 = arith.constant 8 : i32
    %broadcast_in_dim3A_146 = vector.broadcast %jit3A_145 : i32 to vector<64x1xi32>
    %select_n3A_147 = arith.select %lt3A_144, %sub3A_142, %broadcast_in_dim3A_146 : vector<64x1xi1>, vector<64x1xi32>
    %slice3A_148 = vector.extract_strided_slice %select_n3A_147 {offsets = [0, 0], sizes = [39, 1], strides = [1, 1]} : vector<64x1xi32> to vector<39x1xi32>
    %swap3A_149 = arith.constant 0 : index
    %swap3A_150 = arith.constant 0 : index
    %swap3A_151 = vector.load %arg7[%swap3A_149, %swap3A_150] : memref<39x1xi32, #tpu.memory_space<vmem>>, vector<39x1xi32>
    tpu.vector_store %arg7[%swap3A_149, %swap3A_150], %slice3A_148 {strides = array<i32>} : memref<39x1xi32, #tpu.memory_space<vmem>>, vector<39x1xi32>,
    return
  }
  func.func @transform_0(%arg0: i32) -> (i32, i32) {
    %c0_i32 = arith.constant 0 : i32
    %c0_i32_0 = arith.constant 0 : i32
    %c0_i32_1 = arith.constant 0 : i32
    return %c0_i32, %c0_i32_0 : i32, i32
  }
  func.func @transform_1(%arg0: i32) -> (i32, i32) {
    %c0_i32 = arith.constant 0 : i32
    %c0_i32_0 = arith.constant 0 : i32
    %c0_i32_1 = arith.constant 0 : i32
    return %c0_i32, %c0_i32_0 : i32, i32
  }
  func.func @transform_2(%arg0: i32) -> (i32, i32) {
    %c0_i32 = arith.constant 0 : i32
    %c0_i32_0 = arith.constant 0 : i32
    %c0_i32_1 = arith.constant 0 : i32
    return %c0_i32, %c0_i32_0 : i32, i32
  }
  func.func @transform_3(%arg0: i32) -> (i32, i32) {
    %c0_i32 = arith.constant 0 : i32
    %c0_i32_0 = arith.constant 0 : i32
    %c0_i32_1 = arith.constant 0 : i32
    return %c0_i32, %c0_i32_0 : i32, i32
  }
  func.func @transform_4(%arg0: i32) -> (i32, i32) {
    %c0_i32 = arith.constant 0 : i32
    %c0_i32_0 = arith.constant 0 : i32
    %c0_i32_1 = arith.constant 0 : i32
    return %c0_i32, %c0_i32_0 : i32, i32
  }
  func.func @transform_5(%arg0: i32) -> (i32, i32) {
    %c0_i32 = arith.constant 0 : i32
    %c0_i32_0 = arith.constant 0 : i32
    %c0_i32_1 = arith.constant 0 : i32
    return %c0_i32, %c0_i32_0 : i32, i32
  }
  func.func @transform_6(%arg0: i32) -> (i32, i32) {
    %c0_i32 = arith.constant 0 : i32
    %c0_i32_0 = arith.constant 0 : i32
    %c0_i32_1 = arith.constant 0 : i32
    return %c0_i32, %c0_i32_0 : i32, i32
  }
}

</mosaic_0001>

<sc_bundles>
// kernel: kernel.10.cloned.1.call-start
scs
__scs_entry_jumppad:
0x0: {  	(pc) =	sbr.rel $0x88, $3  }
0x1: {  	(tag) =	ssettag $0x0;
	lr =	simm.s32 $0x1  }
0x2: {  	[smem:$0x3F9B] =	sst lr;
	_ =	strace $0xD0000000  }
0x3: {  	_ = 	snop  }
0x4: {  	_ = 	snop  }
0x5: {  	_ = 	snop  }
0x6: {  	_ = 	snop  }
0x7: {  	_ = 	snop  }
__scs_overlays_trampoline_lowered:
0x8: {  	[smem:$0x3FAA] =	sst s0  }
0x9: {  	[smem:$0x3FAB] =	sst s1  }
0xa: {  	[smem:$0x3FAC] =	sst s2  }
0xb: {  	[smem:$0x3FAD] =	sst s3  }
0xc: {  	[smem:$0x3FAE] =	sst s4  }
0xd: {  	[smem:$0x3FAF] =	sst s5  }
0xe: {  	[smem:$0x3FB0] =	sst s6  }
0xf: {  	[smem:$0x3FB1] =	sst s7  }
0x10: {  	[smem:$0x3FB2] =	sst s8  }
0x11: {  	[smem:$0x3FB3] =	sst s9;
	s0 =	simm.s32 @!p0 $0x0  }
0x12: {  	s1 =	sld [smem:$0x3F99];
	s0 =	simm.s32 @p0 $0x1  }
0x13: {  	[smem:$0x3FB4] =	sst s0;
	s0 =	simm.s32 @!p1 $0x0  }
0x14: {  	s2 =	sld [smem:$0x3F98];
	s0 =	simm.s32 @p1 $0x1  }
0x15: {  	[smem:$0x3FB5] =	sst s0;
	s0 =	simm.s32 @!p2 $0x0  }
0x16: {  	s3 =	sld [smem:$0x3FDB];
	s0 =	simm.s32 @p2 $0x1  }
0x17: {  	s4 =	simm.s32 $0x1BF5;
	[smem:$0x3FB7] =	sst s0  }
0x18: {  	s0 =	sld [smem:$0x3F9A];
	_ =	swait.ge [sflag:s4], $0x0  }
0x19: {  	s7 =	sld [smem:$0x3F9B]  }
0x1a: {  	s8 =	sadd.s32 $0xFFFFE003, lr  }
0x1b: {  	s9 =	sadd.s32 $0xFFFFFEF7, lr;
	s5 =	simm.s32 $0xFFFFFFFF;
	p2 =	slt.u32 s8, $0xFFFFF086  }
0x1c: {  	p1 =	slt.u32 s9, $0xF7A;
	s5 =	simm.s32 @!p2 $0x0  }
0x1d: {  	s5 =	simm.s32 @p1 $0x1;
	p0 =	seq.s32 s7, s2  }
0x1e: {  	s7 =	smul.u32 @!p0 $0xF7A, s2;
	p2 =	seq.s32 @!p0 s5, $0x0  }
0x1f: {  	s9 =	smul.u32 $0xF7A, s1;
	s8 =	simm.s32 @!p0 $0x1BF5;
	p2 =	por !p2, p0  }
0x20: {  	[sflag:s8] =	ssyncset.s32 @!p0 $0xFFFFF086;
	s6 =	sadd.s32 @!p0 s3, s7;
	s7 =	simm.s32 @!p0 $0x108  }
0x21: {  	s3 =	sadd.s32 s3, s9;
	s6 =	sadd.s32 @!p0 $0x88, s6;
	s7 =	simm.s32 @p2 $0x1082  }
0x22: {  	[simem:s7], [sflag:s8] =	dma.local @!p0 [hbm:s6], $0xF7A  }
0x23: {  	s9 =	sor.u32 $0xD0000000, s2;
	s6 =	simm.s32 $0x108;
	_ =	swait.ge @!p0 [sflag:s8], $0x0  }
0x24: {  	s3 =	sadd.s32 $0x88, s3;
	s6 =	simm.s32 @!p1 $0x1082;
	[sflag:s4] =	ssyncset.s32 $0xFFFFF086  }
0x25: {  	[simem:s6], [sflag:s4] =	dma.local [hbm:s3], $0xF7A  }
0x26: {  	[smem:$0x3F9B] =	sst s1;
	(tag) =	ssettag s2;
	_ =	strace s9  }
0x27: {  	s1 =	sld [smem:$0x3FAB]  }
0x28: {  	s2 =	sld [smem:$0x3FAC]  }
0x29: {  	s4 =	sld [smem:$0x3FAE]  }
0x2a: {  	p0 =	seq.s32 s5, $0x0;
	s5 =	sld [smem:$0x3FAF]  }
0x2b: {  	s6 =	sld [smem:$0x3FB0]  }
0x2c: {  	s7 =	sld [smem:$0x3FB1]  }
0x2d: {  	s3 =	simm.s32 $0x108;
	s8 =	sld [smem:$0x3FB2]  }
0x2e: {  	s3 =	simm.s32 @!p0 $0x1082;
	s9 =	sld [smem:$0x3FB3]  }
0x2f: {  	lr =	sadd.s32 s0, s3;
	s0 =	sld [smem:$0x3FAA]  }
0x30: {  	s3 =	sld [smem:$0x3FAD]  }
0x31: {  	[smem:$0x3FB6] =	sst s10  }
0x32: {  	s10 =	sld [smem:$0x3FB4];
	_ =	sdelay $0x3  }
0x33: {  	p0 =	seq.s32 s10, $0x1;
	s10 =	sld [smem:$0x3FB6];
	_ =	sdelay $0x3  }
0x34: {  	[smem:$0x3FB6] =	sst s10  }
0x35: {  	s10 =	sld [smem:$0x3FB5];
	_ =	sdelay $0x3  }
0x36: {  	p1 =	seq.s32 s10, $0x1;
	s10 =	sld [smem:$0x3FB6];
	_ =	sdelay $0x3  }
0x37: {  	[smem:$0x3FB6] =	sst s10  }
0x38: {  	s10 =	sld [smem:$0x3FB7]  }
0x39: {  	_ = 	snop;
	(pc) =	sbr.ind lr, $3  }
0x3a: {  	_ = 	snop  }
0x3b: {  	_ = 	snop  }
0x3c: {  	p2 =	seq.s32 s10, $0x1;
	s10 =	sld [smem:$0x3FB6]  }
0x3d: {  	_ =	shalt  }
0x3e: {  	_ =	shalt  }
0x3f: {  	_ =	shalt  }
0x40: {  	_ =	shalt  }
0x41: {  	_ =	shalt  }
0x42: {  	_ =	shalt  }
0x43: {  	_ =	shalt  }
0x44: {  	_ =	shalt  }
0x45: {  	_ =	shalt  }
0x46: {  	_ =	shalt  }
0x47: {  	_ =	shalt  }
0x48: {  	_ =	shalt  }
0x49: {  	_ =	shalt  }
0x4a: {  	_ =	shalt  }
0x4b: {  	_ =	shalt  }
0x4c: {  	_ =	shalt  }
0x4d: {  	_ =	shalt  }
0x4e: {  	_ =	shalt  }
0x4f: {  	_ =	shalt  }
0x50: {  	_ =	shalt  }
0x51: {  	_ =	shalt  }
0x52: {  	_ =	shalt  }
0x53: {  	_ =	shalt  }
0x54: {  	_ =	shalt  }
0x55: {  	_ =	shalt  }
0x56: {  	_ =	shalt  }
0x57: {  	_ =	shalt  }
0x58: {  	_ =	shalt  }
0x59: {  	_ =	shalt  }
0x5a: {  	_ =	shalt  }
0x5b: {  	_ =	shalt  }
0x5c: {  	_ =	shalt  }
0x5d: {  	_ =	shalt  }
0x5e: {  	_ =	shalt  }
0x5f: {  	_ =	shalt  }
0x60: {  	_ =	shalt  }
0x61: {  	_ =	shalt  }
0x62: {  	_ =	shalt  }
0x63: {  	_ =	shalt  }
0x64: {  	_ =	shalt  }
0x65: {  	_ =	shalt  }
0x66: {  	_ =	shalt  }
0x67: {  	_ =	shalt  }
0x68: {  	_ =	shalt  }
0x69: {  	_ =	shalt  }
0x6a: {  	_ =	shalt  }
0x6b: {  	_ =	shalt  }
0x6c: {  	_ =	shalt  }
0x6d: {  	_ =	shalt  }
0x6e: {  	_ =	shalt  }
0x6f: {  	_ =	shalt  }
0x70: {  	_ =	shalt  }
0x71: {  	_ =	shalt  }
0x72: {  	_ =	shalt  }
0x73: {  	_ =	shalt  }
0x74: {  	_ =	shalt  }
0x75: {  	_ =	shalt  }
0x76: {  	_ =	shalt  }
0x77: {  	_ =	shalt  }
0x78: {  	_ =	shalt  }
0x79: {  	_ =	shalt  }
0x7a: {  	_ =	shalt  }
0x7b: {  	_ =	shalt  }
0x7c: {  	_ =	shalt  }
0x7d: {  	_ =	shalt  }
0x7e: {  	_ =	shalt  }
0x7f: {  	_ =	shalt  }
0x80: {  	_ =	shalt  }
0x81: {  	_ =	shalt  }
0x82: {  	_ =	shalt  }
0x83: {  	_ =	shalt  }
0x84: {  	_ =	shalt  }
0x85: {  	_ =	shalt  }
0x86: {  	_ =	shalt  }
0x87: {  	_ =	shalt  }
.Lfunc_end0:
.L_simem_size_0:
called_computation.1_lowered:
.L_overlay_start_0:
0x88: {  	s2 =	sld [smem:$0x3FD9]  }
0x89: {  	s3 =	sld [smem:$0x3FFE];
	_ =	sdelay $0x1  }
0x8a: {  	s1 =	srdreg.scid  }
0x8b: {  	s0 =	sand.u32 $0x1, s1  }
0x8c: {  	s14 =	sshll.u32 s0, $0xA;
	s2 =	sadd.s32 s3, s2  }
0x8d: {  	s2 =	sadd.s32 s2, s14  }
0x8e: {  	[smem:$0x3FC2] =	sst s2  }
0x8f: {  	_ = 	snop  }
0x90: {  	s2 =	sld [smem:$0x3FD0];
	_ =	sdelay $0x2  }
0x91: {  	s15 =	simm.s32 $0xA;
	s4 =	simm.s32 $0x10  }
0x92: {  	[smem:s4], [sflag:s15] =	dma.local [hbm:s2], $0x1  }
0x93: {  	_ =	swait.eq [sflag:s15], $0x1  }
0x94: {  	[sflag:s15] =	ssyncset.done $0x0  }
0x95: {  	[sflag:s15] =	ssyncadd.s32 $0xFFFFFFFF  }
0x96: {  	s16 =	sld [smem:$0x10];
	(tm) =	ssettm $0x1  }
0x97: {  	s17 =	sld [smem:$0x3FFB];
	_ =	sdelay $0x3  }
0x98: {  	_ =	strace s17  }
0x99: {  	s3 =	sld [smem:$0x3FFC];
	_ =	sdelay $0x3  }
0x9a: {  	_ =	strace s3  }
0x9b: {  	s3 =	sld [smem:$0x3FFD];
	_ =	sdelay $0x3  }
0x9c: {  	_ =	strace s3  }
0x9d: {  	_ =	strace $0x8FFFFFFF  }
0x9e: {  	s18 =	sld [smem:$0x3FDB];
	_ =	sdelay $0x1  }
0x9f: {  	s19 =	simm.s32 $_scs_section_size  }
0xa0: {  	s5 =	simm.s32 $_size__tile_overlayer_lowered;
	s6 =	simm.s32 $_tile_overlayer_lowered  }
0xa1: {  	s22 =	simm.s32 $0x1BFF;
	s21 =	sshll.u32 s6, $0x1;
	s3 =	sadd.s32 s19, s18  }
0xa2: {  	s7 =	simm.s32 $0x0;
	s20 =	sshll.u32 s5, $0x1;
	s5 =	sadd.s32 s21, s3  }
0xa3: {  	[timem:s7], [sflag:s22] =	dma.local [hbm:s5], s20  }
0xa4: {  	_ =	swait.ge [sflag:s22], s20  }
0xa5: {  	s4 =	ssub.s32 $0x0, s20;
	[sflag:s22] =	ssyncset.done $0x0  }
0xa6: {  	[sflag:s22] =	ssyncadd.s32 s4;
	_ =	sdelay $0x1  }
0xa7: {  	s23 =	simm.s32 $0x1B8B  }
0xa8: {  	_ =	swait.ge [sflag:s23], $0x1  }
0xa9: {  	[sflag:s23] =	ssyncset.done $0x0  }
0xaa: {  	s25 =	simm.s32 $0x1B8E;
	s24 =	sld [smem:$0x3FFE];
	[sflag:s23] =	ssyncadd.s32 $0xFFFFFFFF  }
0xab: {  	s26 =	simm.s32 $execute0_lowered;
	[smem:$0x3FD2] =	sst s25  }
0xac: {  	s5 =	sshll.u32 s26, $0x1;
	_ =	strace $0x80000049;
	[dreg:$0x1] =	wrdreg $0xFFFFFFFF  }
0xad: {  	s28 =	simm.s32 $_size_execute0_lowered;
	s3 =	sadd.s32 s3, s5;
	[dreg:$0x0] =	wrdreg $0x0  }
0xae: {  	s5 =	sshll.u32 s28, $0x1;
	[dreg:$0x2] =	wrdreg s3  }
0xaf: {  	[dreg:$0x3] =	wrdreg s5  }
0xb0: {  	[dreg:$0x4] =	wrdreg $0xC0  }
0xb1: {  	_ =	task [dreg:s7], $0x5FFFF  }
0xb2: {  	[dreg:$0x1] =	wrdreg $0xFFFFFFFF  }
0xb3: {  	[dreg:$0x0] =	wrdreg $0x60  }
0xb4: {  	[dreg:$0x2] =	wrdreg s24  }
0xb5: {  	[dreg:$0x3] =	wrdreg s16  }
0xb6: {  	[dreg:$0x4] =	wrdreg $0x9  }
0xb7: {  	_ =	task.clear_ibuf [dreg:s7], $0x5FFFF;
	_ =	strace $0x90000049  }
0xb8: {  	s29 =	simm.s32 $0x9;
	_ =	strace $0x8000004B  }
0xb9: {  	_ =	swait.ge [sflag:s29], $0x1  }
0xba: {  	[sflag:s29] =	ssyncadd.s32 $0xFFFFFFFF  }
0xbb: {  	_ =	strace $0x9000004B  }
0xbc: {  	_ =	sfence  }
0xbd: {  	s30 =	sld [smem:$0x0];
	_ =	sdelay $0x2  }
0xbe: {  	s31 =	sshll.u32 s1, $0xD;
	s1 =	sshrl.u32 s1, $0x2  }
0xbf: {  	s3 =	sand.u32 $0x4000, s31;
	s1 =	sadd.s32 s1, s30  }
0xc0: {  	s0 =	sor.u32 s3, s0;
	s1 =	sshll.u32 s1, $0x11  }
0xc1: {  	s0 =	sor.u32 s1, s0  }
0xc2: {  	s0 =	sadd.s32 $0x8F2B, s0  }
0xc3: {  	[sflag:s0] =	ssyncadd.remote.s32 $0x1  }
0xc4: {  	_ =	sfence.sel $0xFFFF  }
0xc5: {  	[dreg:$0x0] =	wrdreg $0xFFFFFFFF;
	(pc) =	sbr.abs _section_cstart, $3  }
0xc6: {  	[dreg:$0x1] =	wrdreg $0xFFFFFFFF  }
0xc7: {  	_ =	task.clear_ibuf [dreg:s7], $0x2FFFF;
	_ =	strace $0x9FFFFFFF  }
0xc8: {  	(tm) =	ssettm $0x7FFFFFFF  }
0xc9: {  	_ =	shalt  }
tec
execute0_lowered:
.L_overlay_start_1:
0x0: {  	(tag) =	ssettag $0x1  }
0x1: {  	s0 =	rddreg [dreg:$0x0]  }
0x2: {  	s1 =	rddreg [dreg:$0x1]  }
0x3: {  	s2 =	srdreg.scid;
	s3 =	stileid.u32;
	s14 =	simm.s32 $0x1  }
0x4: {  	s16 =	simm.s32 $0x880;
	s17 =	simm.s32 $0x1080;
	s18 =	simm.s32 $0x1880  }
0x5: {  	s19 =	simm.s32 $0x2080;
	s20 =	simm.s32 $0x2880;
	s21 =	simm.s32 $0x3080  }
0x6: {  	s22 =	simm.s32 $0x3880;
	s23 =	simm.s32 $0x4080;
	s28 =	simm.s32 $0x6080  }
0x7: {  	s29 =	simm.s32 $0x6880;
	s30 =	simm.s32 $0x7080;
	s31 =	simm.s32 $0x7880  }
0x8: {  	s10 =	simm.s32 $0xA080;
	s11 =	simm.s32 $0xA880;
	s12 =	simm.s32 $0xB080  }
0x9: {  	s13 =	simm.s32 $0xB880;
	s4 =	sand.u32 $0x1, s2;
	s2 =	simm.s32 $0x0  }
0xa: {  	s3 =	sshll.u32 s3, $0x8;
	s5 =	sshll.u32 s4, $0x7;
	[smem:$0x7FF] =	sst s2  }
0xb: {  	s4 =	ssub.s32 $0x2, s4;
	s5 =	sor.u32 s5, s3;
	_ =	strace $0x8000004A  }
0xc: {  	s3 =	sadd.s32 $0x9EA00, s0;
	s9 =	sshrl.u32 s4, $0x1;
	s6 =	sshrl.u32 s5, $0x3  }
0xd: {  	s5 =	sshll.u32 s5, $0x6;
	s24 =	ssub.s32 s4, s9;
	s4 =	sadd.s32 $0x9EB00, s0  }
0xe: {  	s9 =	simm.s32 $0x9880;
	s6 =	sadd.s32 s6, s0;
	s1 =	sadd.s32 s1, s5  }
0xf: {  	s7 =	sadd.s32 s5, s0;
	s8 =	sadd.s32 $0x2600, s6;
	[dreg:$0x4] =	wrdreg s1  }
0x10: {  	s5 =	smax.u32 s24, $0x1;
	s25 =	sadd.s32 $0x2800, s6;
	[dreg:$0x3] =	wrdreg s8  }
0x11: {  	v2 =	vlaneseq.u32;
	s24 =	simm.s32 $0x4880;
	s26 =	sadd.s32 $0x2A00, s7;
	[dreg:$0x5] =	wrdreg s25  }
0x12: {  	vm0 =	vmmov $0xffff;
	v1 =	vshrl.u32 v2, $0x3;
	s6 =	simm.s32 $0x2;
	s7 =	simm.s32 $0xC080;
	[dreg:$0x6] =	wrdreg s26  }
0x13: {  	v0 =	vand.u32 $0x7, v2;
	v2 =	vor.u32 $0x8, v2;
	v1 =	vmul.u32 $0x8, v1;
	s25 =	simm.s32 $0x5080;
	s26 =	simm.s32 $0x5880;
	s8 =	simm.s32 $0x9080  }
.LBB2_1:
0x14: {  	s15 =	rddreg [dreg:$0x3]  }
0x15: {  	[tilespmem:s2], [sflag:$0x2] =	stream.linear.gather [hbm4b:s15+s2], $0x80, $0x38;
	[tilespmem:$0x10080] =	vst v63  }
0x16: {  	_ =	swait.ge [sflag:s6], $0x80  }
0x17: {  	[sflag:s6] =	ssyncset.done $0x0  }
0x18: {  	[sflag:s6] =	ssyncadd.s32 $0xFFFFFF80  }
0x19: {  	v3 =	vld [tilespmem:$0x0];
	_ =	sdelay $0x4  }
0x1a: {  	v4 =	vshll.u32 v3, $0x2  }
0x1b: {  	v3 =	vand.u32 $0x7, v3;
	v4 =	vand.u32 $0xFFFFFFE0, v4  }
0x1c: {  	v3 =	vor.u32 v3, v4  }
0x1d: {  	v4 =	vperm.xlane v3, v0;
	_ =	sdelay $0x1  }
0x1e: {  	v4 =	vadd.s32 v1, v4;
	_ =	sdelay $0x1  }
0x1f: {  	v3 =	vperm.xlane v3, v2;
	_ =	sdelay $0x1  }
0x20: {  	s0 =	simm.s32 $0x80;
	v3 =	vadd.s32 v1, v3  }
0x21: {  	[tilespmem:s0], [sflag:$0x1] =	stream.indirect_vreg.gather [hbm4b:s3+s2], $0x80, v4, vm0, $0xb8;
	[tilespmem:$0x10080] =	vst v63  }
0x22: {  	_ = 	snop  }
0x23: {  	[tilespmem:s16], [sflag:$0x1] =	stream.indirect_vreg.gather [hbm4b:s4+s2], $0x80, v4, vm0, $0xb8;
	[tilespmem:$0x10080] =	vst v63  }
0x24: {  	_ = 	snop  }
0x25: {  	[tilespmem:s17], [sflag:$0x1] =	stream.indirect_vreg.gather [hbm4b:s3+s2], $0x80, v3, vm0, $0xb8;
	[tilespmem:$0x10080] =	vst v63  }
0x26: {  	_ = 	snop  }
0x27: {  	[tilespmem:s18], [sflag:$0x1] =	stream.indirect_vreg.gather [hbm4b:s4+s2], $0x80, v3, vm0, $0xb8;
	[tilespmem:$0x10080] =	vst v63  }
0x28: {  	v3 =	vld [tilespmem:$0x10];
	_ =	sdelay $0x4  }
0x29: {  	v49 =	vshll.u32 v3, $0x2  }
0x2a: {  	v3 =	vand.u32 $0x7, v3;
	v4 =	vand.u32 $0xFFFFFFE0, v49  }
0x2b: {  	v3 =	vor.u32 v3, v4  }
0x2c: {  	v4 =	vperm.xlane v3, v0;
	_ =	sdelay $0x1  }
0x2d: {  	v4 =	vadd.s32 v1, v4;
	_ =	sdelay $0x1  }
0x2e: {  	v3 =	vperm.xlane v3, v2;
	_ =	sdelay $0x1  }
0x2f: {  	v3 =	vadd.s32 v1, v3  }
0x30: {  	[tilespmem:s19], [sflag:$0x1] =	stream.indirect_vreg.gather [hbm4b:s3+s2], $0x80, v4, vm0, $0xb8;
	[tilespmem:$0x10080] =	vst v63  }
0x31: {  	_ = 	snop  }
0x32: {  	[tilespmem:s20], [sflag:$0x1] =	stream.indirect_vreg.gather [hbm4b:s4+s2], $0x80, v4, vm0, $0xb8;
	[tilespmem:$0x10080] =	vst v63  }
0x33: {  	_ = 	snop  }
0x34: {  	[tilespmem:s21], [sflag:$0x1] =	stream.indirect_vreg.gather [hbm4b:s3+s2], $0x80, v3, vm0, $0xb8;
	[tilespmem:$0x10080] =	vst v63  }
0x35: {  	_ = 	snop  }
0x36: {  	[tilespmem:s22], [sflag:$0x1] =	stream.indirect_vreg.gather [hbm4b:s4+s2], $0x80, v3, vm0, $0xb8;
	[tilespmem:$0x10080] =	vst v63  }
0x37: {  	v3 =	vld [tilespmem:$0x20];
	_ =	sdelay $0x4  }
0x38: {  	v50 =	vshll.u32 v3, $0x2  }
0x39: {  	v3 =	vand.u32 $0x7, v3;
	v4 =	vand.u32 $0xFFFFFFE0, v50  }
0x3a: {  	v3 =	vor.u32 v3, v4  }
0x3b: {  	v4 =	vperm.xlane v3, v0;
	_ =	sdelay $0x1  }
0x3c: {  	v4 =	vadd.s32 v1, v4;
	_ =	sdelay $0x1  }
0x3d: {  	v3 =	vperm.xlane v3, v2;
	_ =	sdelay $0x1  }
0x3e: {  	v3 =	vadd.s32 v1, v3  }
0x3f: {  	[tilespmem:s23], [sflag:$0x1] =	stream.indirect_vreg.gather [hbm4b:s3+s2], $0x80, v4, vm0, $0xb8;
	[tilespmem:$0x10080] =	vst v63  }
0x40: {  	_ = 	snop  }
0x41: {  	[tilespmem:s24], [sflag:$0x1] =	stream.indirect_vreg.gather [hbm4b:s4+s2], $0x80, v4, vm0, $0xb8;
	[tilespmem:$0x10080] =	vst v63  }
0x42: {  	_ = 	snop  }
0x43: {  	[tilespmem:s25], [sflag:$0x1] =	stream.indirect_vreg.gather [hbm4b:s3+s2], $0x80, v3, vm0, $0xb8;
	[tilespmem:$0x10080] =	vst v63  }
0x44: {  	_ = 	snop  }
0x45: {  	[tilespmem:s26], [sflag:$0x1] =	stream.indirect_vreg.gather [hbm4b:s4+s2], $0x80, v3, vm0, $0xb8;
	[tilespmem:$0x10080] =	vst v63  }
0x46: {  	v3 =	vld [tilespmem:$0x30];
	_ =	sdelay $0x4  }
0x47: {  	v51 =	vshll.u32 v3, $0x2  }
0x48: {  	v3 =	vand.u32 $0x7, v3;
	v4 =	vand.u32 $0xFFFFFFE0, v51  }
0x49: {  	v3 =	vor.u32 v3, v4  }
0x4a: {  	v4 =	vperm.xlane v3, v0;
	_ =	sdelay $0x1  }
0x4b: {  	v4 =	vadd.s32 v1, v4;
	_ =	sdelay $0x1  }
0x4c: {  	v3 =	vperm.xlane v3, v2;
	_ =	sdelay $0x1  }
0x4d: {  	v3 =	vadd.s32 v1, v3  }
0x4e: {  	[tilespmem:s28], [sflag:$0x1] =	stream.indirect_vreg.gather [hbm4b:s3+s2], $0x80, v4, vm0, $0xb8;
	[tilespmem:$0x10080] =	vst v63  }
0x4f: {  	_ = 	snop  }
0x50: {  	[tilespmem:s29], [sflag:$0x1] =	stream.indirect_vreg.gather [hbm4b:s4+s2], $0x80, v4, vm0, $0xb8;
	[tilespmem:$0x10080] =	vst v63  }
0x51: {  	_ = 	snop  }
0x52: {  	[tilespmem:s30], [sflag:$0x1] =	stream.indirect_vreg.gather [hbm4b:s3+s2], $0x80, v3, vm0, $0xb8;
	[tilespmem:$0x10080] =	vst v63  }
0x53: {  	_ = 	snop  }
0x54: {  	[tilespmem:s31], [sflag:$0x1] =	stream.indirect_vreg.gather [hbm4b:s4+s2], $0x80, v3, vm0, $0xb8;
	[tilespmem:$0x10080] =	vst v63  }
0x55: {  	v3 =	vld [tilespmem:$0x40];
	_ =	sdelay $0x4  }
0x56: {  	v52 =	vshll.u32 v3, $0x2  }
0x57: {  	v3 =	vand.u32 $0x7, v3;
	v4 =	vand.u32 $0xFFFFFFE0, v52  }
0x58: {  	v3 =	vor.u32 v3, v4  }
0x59: {  	v4 =	vperm.xlane v3, v0;
	_ =	sdelay $0x1  }
0x5a: {  	v4 =	vadd.s32 v1, v4;
	_ =	sdelay $0x1  }
0x5b: {  	v3 =	vperm.xlane v3, v2;
	_ =	sdelay $0x1  }
0x5c: {  	s1 =	simm.s32 $0x8080;
	v3 =	vadd.s32 v1, v3  }
0x5d: {  	[tilespmem:s1], [sflag:$0x1] =	stream.indirect_vreg.gather [hbm4b:s3+s2], $0x80, v4, vm0, $0xb8;
	[tilespmem:$0x10080] =	vst v63  }
0x5e: {  	s1 =	simm.s32 $0x8880  }
0x5f: {  	[tilespmem:s1], [sflag:$0x1] =	stream.indirect_vreg.gather [hbm4b:s4+s2], $0x80, v4, vm0, $0xb8;
	[tilespmem:$0x10080] =	vst v63  }
0x60: {  	_ = 	snop  }
0x61: {  	[tilespmem:s8], [sflag:$0x1] =	stream.indirect_vreg.gather [hbm4b:s3+s2], $0x80, v3, vm0, $0xb8;
	[tilespmem:$0x10080] =	vst v63  }
0x62: {  	_ = 	snop  }
0x63: {  	[tilespmem:s9], [sflag:$0x1] =	stream.indirect_vreg.gather [hbm4b:s4+s2], $0x80, v3, vm0, $0xb8;
	[tilespmem:$0x10080] =	vst v63  }
0x64: {  	v3 =	vld [tilespmem:$0x50];
	_ =	sdelay $0x4  }
0x65: {  	v53 =	vshll.u32 v3, $0x2  }
0x66: {  	v3 =	vand.u32 $0x7, v3;
	v4 =	vand.u32 $0xFFFFFFE0, v53  }
0x67: {  	v3 =	vor.u32 v3, v4  }
0x68: {  	v4 =	vperm.xlane v3, v0;
	_ =	sdelay $0x1  }
0x69: {  	v4 =	vadd.s32 v1, v4;
	_ =	sdelay $0x1  }
0x6a: {  	v3 =	vperm.xlane v3, v2;
	_ =	sdelay $0x1  }
0x6b: {  	v3 =	vadd.s32 v1, v3  }
0x6c: {  	[tilespmem:s10], [sflag:$0x1] =	stream.indirect_vreg.gather [hbm4b:s3+s2], $0x80, v4, vm0, $0xb8;
	[tilespmem:$0x10080] =	vst v63  }
0x6d: {  	_ = 	snop  }
0x6e: {  	[tilespmem:s11], [sflag:$0x1] =	stream.indirect_vreg.gather [hbm4b:s4+s2], $0x80, v4, vm0, $0xb8;
	[tilespmem:$0x10080] =	vst v63  }
0x6f: {  	_ = 	snop  }
0x70: {  	[tilespmem:s12], [sflag:$0x1] =	stream.indirect_vreg.gather [hbm4b:s3+s2], $0x80, v3, vm0, $0xb8;
	[tilespmem:$0x10080] =	vst v63  }
0x71: {  	_ = 	snop  }
0x72: {  	[tilespmem:s13], [sflag:$0x1] =	stream.indirect_vreg.gather [hbm4b:s4+s2], $0x80, v3, vm0, $0xb8;
	[tilespmem:$0x10080] =	vst v63  }
0x73: {  	v3 =	vld [tilespmem:$0x60];
	_ =	sdelay $0x4  }
0x74: {  	v54 =	vshll.u32 v3, $0x2  }
0x75: {  	v3 =	vand.u32 $0x7, v3;
	v4 =	vand.u32 $0xFFFFFFE0, v54  }
0x76: {  	v3 =	vor.u32 v3, v4  }
0x77: {  	v4 =	vperm.xlane v3, v0;
	_ =	sdelay $0x1  }
0x78: {  	v4 =	vadd.s32 v1, v4;
	_ =	sdelay $0x1  }
0x79: {  	v3 =	vperm.xlane v3, v2;
	_ =	sdelay $0x1  }
0x7a: {  	v3 =	vadd.s32 v1, v3  }
0x7b: {  	[tilespmem:s7], [sflag:$0x1] =	stream.indirect_vreg.gather [hbm4b:s3+s2], $0x80, v4, vm0, $0xb8;
	[tilespmem:$0x10080] =	vst v63  }
0x7c: {  	s15 =	simm.s32 $0xC880  }
0x7d: {  	[tilespmem:s15], [sflag:$0x1] =	stream.indirect_vreg.gather [hbm4b:s4+s2], $0x80, v4, vm0, $0xb8;
	[tilespmem:$0x10080] =	vst v63  }
0x7e: {  	s15 =	simm.s32 $0xD080  }
0x7f: {  	[tilespmem:s15], [sflag:$0x1] =	stream.indirect_vreg.gather [hbm4b:s3+s2], $0x80, v3, vm0, $0xb8;
	[tilespmem:$0x10080] =	vst v63  }
0x80: {  	s15 =	simm.s32 $0xD880  }
0x81: {  	[tilespmem:s15], [sflag:$0x1] =	stream.indirect_vreg.gather [hbm4b:s4+s2], $0x80, v3, vm0, $0xb8;
	[tilespmem:$0x10080] =	vst v63  }
0x82: {  	v3 =	vld [tilespmem:$0x70];
	_ =	sdelay $0x4  }
0x83: {  	v55 =	vshll.u32 v3, $0x2  }
0x84: {  	v3 =	vand.u32 $0x7, v3;
	v4 =	vand.u32 $0xFFFFFFE0, v55  }
0x85: {  	v3 =	vor.u32 v3, v4  }
0x86: {  	v4 =	vperm.xlane v3, v0;
	_ =	sdelay $0x1  }
0x87: {  	v4 =	vadd.s32 v1, v4;
	_ =	sdelay $0x1  }
0x88: {  	v3 =	vperm.xlane v3, v2;
	_ =	sdelay $0x1  }
0x89: {  	s15 =	simm.s32 $0xE080;
	v3 =	vadd.s32 v1, v3  }
0x8a: {  	[tilespmem:s15], [sflag:$0x1] =	stream.indirect_vreg.gather [hbm4b:s3+s2], $0x80, v4, vm0, $0xb8;
	[tilespmem:$0x10080] =	vst v63  }
0x8b: {  	s15 =	simm.s32 $0xE880  }
0x8c: {  	[tilespmem:s15], [sflag:$0x1] =	stream.indirect_vreg.gather [hbm4b:s4+s2], $0x80, v4, vm0, $0xb8;
	[tilespmem:$0x10080] =	vst v63  }
0x8d: {  	s15 =	simm.s32 $0xF080  }
0x8e: {  	[tilespmem:s15], [sflag:$0x1] =	stream.indirect_vreg.gather [hbm4b:s3+s2], $0x80, v3, vm0, $0xb8;
	[tilespmem:$0x10080] =	vst v63  }
0x8f: {  	s15 =	simm.s32 $0xF880  }
0x90: {  	[tilespmem:s15], [sflag:$0x1] =	stream.indirect_vreg.gather [hbm4b:s4+s2], $0x80, v3, vm0, $0xb8;
	[tilespmem:$0x10080] =	vst v63  }
0x91: {  	_ =	swait.ge [sflag:s14], $0x10000  }
0x92: {  	[sflag:s14] =	ssyncset.done $0x0  }
0x93: {  	s0 =	simm.s32 $0x80;
	s15 =	rddreg [dreg:$0x4];
	[sflag:s14] =	ssyncadd.s32 $0xFFFF0000  }
0x94: {  	[hbm4b:s15+s2] =	stream.linear.scatter [tilespmem:s0], [sflag:$0x2], $0x10000, $0x38;
	[tilespmem:$0x10080] =	vst v63  }
0x95: {  	_ =	swait.ge [sflag:s6], $0x10000  }
0x96: {  	[sflag:s6] =	ssyncset.done $0x0  }
0x97: {  	s15 =	rddreg [dreg:$0x5];
	[sflag:s6] =	ssyncadd.s32 $0xFFFF0000  }
0x98: {  	[tilespmem:s2], [sflag:$0x2] =	stream.linear.gather [hbm4b:s15+s2], $0x80, $0x38;
	[tilespmem:$0x10080] =	vst v63  }
0x99: {  	_ =	swait.ge [sflag:s6], $0x80  }
0x9a: {  	[sflag:s6] =	ssyncset.done $0x0  }
0x9b: {  	[sflag:s6] =	ssyncadd.s32 $0xFFFFFF80  }
0x9c: {  	v3 =	vld [tilespmem:$0x0];
	_ =	sdelay $0x4  }
0x9d: {  	v56 =	vshll.u32 v3, $0x2  }
0x9e: {  	v3 =	vand.u32 $0x7, v3;
	v4 =	vand.u32 $0xFFFFFFE0, v56  }
0x9f: {  	v3 =	vor.u32 v3, v4  }
0xa0: {  	v4 =	vperm.xlane v3, v0;
	_ =	sdelay $0x1  }
0xa1: {  	v4 =	vadd.s32 v1, v4;
	_ =	sdelay $0x1  }
0xa2: {  	v3 =	vperm.xlane v3, v2;
	_ =	sdelay $0x1  }
0xa3: {  	v3 =	vadd.s32 v1, v3  }
0xa4: {  	[tilespmem:s0], [sflag:$0x1] =	stream.indirect_vreg.gather [hbm4b:s3+s2], $0x80, v4, vm0, $0xb8;
	[tilespmem:$0x10080] =	vst v63  }
0xa5: {  	_ = 	snop  }
0xa6: {  	[tilespmem:s16], [sflag:$0x1] =	stream.indirect_vreg.gather [hbm4b:s4+s2], $0x80, v4, vm0, $0xb8;
	[tilespmem:$0x10080] =	vst v63  }
0xa7: {  	_ = 	snop  }
0xa8: {  	[tilespmem:s17], [sflag:$0x1] =	stream.indirect_vreg.gather [hbm4b:s3+s2], $0x80, v3, vm0, $0xb8;
	[tilespmem:$0x10080] =	vst v63  }
0xa9: {  	_ = 	snop  }
0xaa: {  	[tilespmem:s18], [sflag:$0x1] =	stream.indirect_vreg.gather [hbm4b:s4+s2], $0x80, v3, vm0, $0xb8;
	[tilespmem:$0x10080] =	vst v63  }
0xab: {  	v3 =	vld [tilespmem:$0x10];
	_ =	sdelay $0x4  }
0xac: {  	v57 =	vshll.u32 v3, $0x2  }
0xad: {  	v3 =	vand.u32 $0x7, v3;
	v4 =	vand.u32 $0xFFFFFFE0, v57  }
0xae: {  	v3 =	vor.u32 v3, v4  }
0xaf: {  	v4 =	vperm.xlane v3, v0;
	_ =	sdelay $0x1  }
0xb0: {  	v4 =	vadd.s32 v1, v4;
	_ =	sdelay $0x1  }
0xb1: {  	v3 =	vperm.xlane v3, v2;
	_ =	sdelay $0x1  }
0xb2: {  	v3 =	vadd.s32 v1, v3  }
0xb3: {  	[tilespmem:s19], [sflag:$0x1] =	stream.indirect_vreg.gather [hbm4b:s3+s2], $0x80, v4, vm0, $0xb8;
	[tilespmem:$0x10080] =	vst v63  }
0xb4: {  	_ = 	snop  }
0xb5: {  	[tilespmem:s20], [sflag:$0x1] =	stream.indirect_vreg.gather [hbm4b:s4+s2], $0x80, v4, vm0, $0xb8;
	[tilespmem:$0x10080] =	vst v63  }
0xb6: {  	_ = 	snop  }
0xb7: {  	[tilespmem:s21], [sflag:$0x1] =	stream.indirect_vreg.gather [hbm4b:s3+s2], $0x80, v3, vm0, $0xb8;
	[tilespmem:$0x10080] =	vst v63  }
0xb8: {  	_ = 	snop  }
0xb9: {  	[tilespmem:s22], [sflag:$0x1] =	stream.indirect_vreg.gather [hbm4b:s4+s2], $0x80, v3, vm0, $0xb8;
	[tilespmem:$0x10080] =	vst v63  }
0xba: {  	v3 =	vld [tilespmem:$0x20];
	_ =	sdelay $0x4  }
0xbb: {  	v58 =	vshll.u32 v3, $0x2  }
0xbc: {  	v3 =	vand.u32 $0x7, v3;
	v4 =	vand.u32 $0xFFFFFFE0, v58  }
0xbd: {  	v3 =	vor.u32 v3, v4  }
0xbe: {  	v4 =	vperm.xlane v3, v0;
	_ =	sdelay $0x1  }
0xbf: {  	v4 =	vadd.s32 v1, v4;
	_ =	sdelay $0x1  }
0xc0: {  	v3 =	vperm.xlane v3, v2;
	_ =	sdelay $0x1  }
0xc1: {  	v3 =	vadd.s32 v1, v3  }
0xc2: {  	[tilespmem:s23], [sflag:$0x1] =	stream.indirect_vreg.gather [hbm4b:s3+s2], $0x80, v4, vm0, $0xb8;
	[tilespmem:$0x10080] =	vst v63  }
0xc3: {  	_ = 	snop  }
0xc4: {  	[tilespmem:s24], [sflag:$0x1] =	stream.indirect_vreg.gather [hbm4b:s4+s2], $0x80, v4, vm0, $0xb8;
	[tilespmem:$0x10080] =	vst v63  }
0xc5: {  	_ = 	snop  }
0xc6: {  	[tilespmem:s25], [sflag:$0x1] =	stream.indirect_vreg.gather [hbm4b:s3+s2], $0x80, v3, vm0, $0xb8;
	[tilespmem:$0x10080] =	vst v63  }
0xc7: {  	_ = 	snop  }
0xc8: {  	[tilespmem:s26], [sflag:$0x1] =	stream.indirect_vreg.gather [hbm4b:s4+s2], $0x80, v3, vm0, $0xb8;
	[tilespmem:$0x10080] =	vst v63  }
0xc9: {  	v3 =	vld [tilespmem:$0x30];
	_ =	sdelay $0x4  }
0xca: {  	v59 =	vshll.u32 v3, $0x2  }
0xcb: {  	v3 =	vand.u32 $0x7, v3;
	v4 =	vand.u32 $0xFFFFFFE0, v59  }
0xcc: {  	v3 =	vor.u32 v3, v4  }
0xcd: {  	v4 =	vperm.xlane v3, v0;
	_ =	sdelay $0x1  }
0xce: {  	v4 =	vadd.s32 v1, v4;
	_ =	sdelay $0x1  }
0xcf: {  	v3 =	vperm.xlane v3, v2;
	_ =	sdelay $0x1  }
0xd0: {  	v3 =	vadd.s32 v1, v3  }
0xd1: {  	[tilespmem:s28], [sflag:$0x1] =	stream.indirect_vreg.gather [hbm4b:s3+s2], $0x80, v4, vm0, $0xb8;
	[tilespmem:$0x10080] =	vst v63  }
0xd2: {  	_ = 	snop  }
0xd3: {  	[tilespmem:s29], [sflag:$0x1] =	stream.indirect_vreg.gather [hbm4b:s4+s2], $0x80, v4, vm0, $0xb8;
	[tilespmem:$0x10080] =	vst v63  }
0xd4: {  	_ = 	snop  }
0xd5: {  	[tilespmem:s30], [sflag:$0x1] =	stream.indirect_vreg.gather [hbm4b:s3+s2], $0x80, v3, vm0, $0xb8;
	[tilespmem:$0x10080] =	vst v63  }
0xd6: {  	_ = 	snop  }
0xd7: {  	[tilespmem:s31], [sflag:$0x1] =	stream.indirect_vreg.gather [hbm4b:s4+s2], $0x80, v3, vm0, $0xb8;
	[tilespmem:$0x10080] =	vst v63  }
0xd8: {  	v3 =	vld [tilespmem:$0x40];
	_ =	sdelay $0x4  }
0xd9: {  	v60 =	vshll.u32 v3, $0x2  }
0xda: {  	v3 =	vand.u32 $0x7, v3;
	v4 =	vand.u32 $0xFFFFFFE0, v60  }
0xdb: {  	v3 =	vor.u32 v3, v4  }
0xdc: {  	v4 =	vperm.xlane v3, v0;
	_ =	sdelay $0x1  }
0xdd: {  	v4 =	vadd.s32 v1, v4;
	_ =	sdelay $0x1  }
0xde: {  	v3 =	vperm.xlane v3, v2;
	_ =	sdelay $0x1  }
0xdf: {  	s15 =	simm.s32 $0x8080;
	v3 =	vadd.s32 v1, v3  }
0xe0: {  	[tilespmem:s15], [sflag:$0x1] =	stream.indirect_vreg.gather [hbm4b:s3+s2], $0x80, v4, vm0, $0xb8;
	[tilespmem:$0x10080] =	vst v63  }
0xe1: {  	_ = 	snop  }
0xe2: {  	[tilespmem:s1], [sflag:$0x1] =	stream.indirect_vreg.gather [hbm4b:s4+s2], $0x80, v4, vm0, $0xb8;
	[tilespmem:$0x10080] =	vst v63  }
0xe3: {  	_ = 	snop  }
0xe4: {  	[tilespmem:s8], [sflag:$0x1] =	stream.indirect_vreg.gather [hbm4b:s3+s2], $0x80, v3, vm0, $0xb8;
	[tilespmem:$0x10080] =	vst v63  }
0xe5: {  	_ = 	snop  }
0xe6: {  	[tilespmem:s9], [sflag:$0x1] =	stream.indirect_vreg.gather [hbm4b:s4+s2], $0x80, v3, vm0, $0xb8;
	[tilespmem:$0x10080] =	vst v63  }
0xe7: {  	v3 =	vld [tilespmem:$0x50];
	_ =	sdelay $0x4  }
0xe8: {  	v61 =	vshll.u32 v3, $0x2  }
0xe9: {  	v3 =	vand.u32 $0x7, v3;
	v4 =	vand.u32 $0xFFFFFFE0, v61  }
0xea: {  	v3 =	vor.u32 v3, v4  }
0xeb: {  	v4 =	vperm.xlane v3, v0;
	_ =	sdelay $0x1  }
0xec: {  	v4 =	vadd.s32 v1, v4;
	_ =	sdelay $0x1  }
0xed: {  	v3 =	vperm.xlane v3, v2;
	_ =	sdelay $0x1  }
0xee: {  	v3 =	vadd.s32 v1, v3  }
0xef: {  	[tilespmem:s10], [sflag:$0x1] =	stream.indirect_vreg.gather [hbm4b:s3+s2], $0x80, v4, vm0, $0xb8;
	[tilespmem:$0x10080] =	vst v63  }
0xf0: {  	_ = 	snop  }
0xf1: {  	[tilespmem:s11], [sflag:$0x1] =	stream.indirect_vreg.gather [hbm4b:s4+s2], $0x80, v4, vm0, $0xb8;
	[tilespmem:$0x10080] =	vst v63  }
0xf2: {  	_ = 	snop  }
0xf3: {  	[tilespmem:s12], [sflag:$0x1] =	stream.indirect_vreg.gather [hbm4b:s3+s2], $0x80, v3, vm0, $0xb8;
	[tilespmem:$0x10080] =	vst v63  }
0xf4: {  	_ = 	snop  }
0xf5: {  	[tilespmem:s13], [sflag:$0x1] =	stream.indirect_vreg.gather [hbm4b:s4+s2], $0x80, v3, vm0, $0xb8;
	[tilespmem:$0x10080] =	vst v63  }
0xf6: {  	v3 =	vld [tilespmem:$0x60];
	_ =	sdelay $0x4  }
0xf7: {  	v62 =	vshll.u32 v3, $0x2  }
0xf8: {  	v3 =	vand.u32 $0x7, v3;
	v4 =	vand.u32 $0xFFFFFFE0, v62  }
0xf9: {  	v3 =	vor.u32 v3, v4  }
0xfa: {  	v4 =	vperm.xlane v3, v0;
	_ =	sdelay $0x1  }
0xfb: {  	v4 =	vadd.s32 v1, v4;
	_ =	sdelay $0x1  }
0xfc: {  	v3 =	vperm.xlane v3, v2;
	_ =	sdelay $0x1  }
0xfd: {  	v3 =	vadd.s32 v1, v3  }
0xfe: {  	[tilespmem:s7], [sflag:$0x1] =	stream.indirect_vreg.gather [hbm4b:s3+s2], $0x80, v4, vm0, $0xb8;
	[tilespmem:$0x10080] =	vst v63  }
0xff: {  	s15 =	simm.s32 $0xC880  }
0x100: {  	[tilespmem:s15], [sflag:$0x1] =	stream.indirect_vreg.gather [hbm4b:s4+s2], $0x80, v4, vm0, $0xb8;
	[tilespmem:$0x10080] =	vst v63  }
0x101: {  	s15 =	simm.s32 $0xD080  }
0x102: {  	[tilespmem:s15], [sflag:$0x1] =	stream.indirect_vreg.gather [hbm4b:s3+s2], $0x80, v3, vm0, $0xb8;
	[tilespmem:$0x10080] =	vst v63  }
0x103: {  	s15 =	simm.s32 $0xD880  }
0x104: {  	[tilespmem:s15], [sflag:$0x1] =	stream.indirect_vreg.gather [hbm4b:s4+s2], $0x80, v3, vm0, $0xb8;
	[tilespmem:$0x10080] =	vst v63  }
0x105: {  	v3 =	vld [tilespmem:$0x70];
	_ =	sdelay $0x4  }
0x106: {  	v63 =	vshll.u32 v3, $0x2  }
0x107: {  	v3 =	vand.u32 $0x7, v3;
	v4 =	vand.u32 $0xFFFFFFE0, v63  }
0x108: {  	v3 =	vor.u32 v3, v4  }
0x109: {  	v4 =	vperm.xlane v3, v0;
	_ =	sdelay $0x1  }
0x10a: {  	v4 =	vadd.s32 v1, v4;
	_ =	sdelay $0x1  }
0x10b: {  	v3 =	vperm.xlane v3, v2;
	_ =	sdelay $0x1  }
0x10c: {  	s15 =	simm.s32 $0xE080;
	v3 =	vadd.s32 v1, v3  }
0x10d: {  	[tilespmem:s15], [sflag:$0x1] =	stream.indirect_vreg.gather [hbm4b:s3+s2], $0x80, v4, vm0, $0xb8;
	[tilespmem:$0x10080] =	vst v63  }
0x10e: {  	s15 =	simm.s32 $0xE880  }
0x10f: {  	[tilespmem:s15], [sflag:$0x1] =	stream.indirect_vreg.gather [hbm4b:s4+s2], $0x80, v4, vm0, $0xb8;
	[tilespmem:$0x10080] =	vst v63  }
0x110: {  	s15 =	simm.s32 $0xF080  }
0x111: {  	[tilespmem:s15], [sflag:$0x1] =	stream.indirect_vreg.gather [hbm4b:s3+s2], $0x80, v3, vm0, $0xb8;
	[tilespmem:$0x10080] =	vst v63  }
0x112: {  	s15 =	simm.s32 $0xF880  }
0x113: {  	[tilespmem:s15], [sflag:$0x1] =	stream.indirect_vreg.gather [hbm4b:s4+s2], $0x80, v3, vm0, $0xb8;
	[tilespmem:$0x10080] =	vst v63  }
0x114: {  	_ =	swait.ge [sflag:s14], $0x10000  }
0x115: {  	p0 =	sne.s32 s5, $0x1;
	s0 =	simm.s32 $0x80;
	[sflag:s14] =	ssyncset.done $0x0  }
.Ltmp0:
0x116: {  	s1 =	rddreg [dreg:$0x6];
	[sflag:s14] =	ssyncadd.s32 $0xFFFF0000;
	(pc) =	sbr.rel @p0 .LBB2_1-.Ltmp0, $4  }
0x117: {  	[hbm4b:s1+s2] =	stream.linear.scatter [tilespmem:s0], [sflag:$0x2], $0x10000, $0x38;
	[tilespmem:$0x10080] =	vst v63  }
0x118: {  	_ =	swait.ge [sflag:s6], $0x10000  }
0x119: {  	[sflag:s6] =	ssyncset.done $0x0  }
0x11a: {  	s5 =	sadd.s32 $0xFFFFFFFF, s5;
	[sflag:s6] =	ssyncadd.s32 $0xFFFF0000  }
0x11b: {  	_ =	sfence.sel $0x180000  }
0x11c: {  	[bflag:$0x0] =	sbarrier.arrive $0xFFFF  }
0x11d: {  	_ =	strace $0x9000004A  }
0x11e: {  	s0 =	stileid.u32;
	[bflag:$0x2] =	sbarrier.arrive $0xFFFF  }
0x11f: {  	p0 =	sne.s32 s0, $0x0;
	s0 =	rddreg [dreg:$0x2]  }
0x120: {  	s0 =	sadd.s32 @!p0 $0x100000, s0  }
0x121: {  	[sflag:s0] =	ssyncadd.tile.s32 @!p0 $0x1;
	_ =	shalt  }
.Lfunc_end2:
_tile_overlayer_lowered:
.L_overlay_start_2:
0x122: {  	(tag) =	ssettag $0x2  }
0x123: {  	s0 =	rddreg [dreg:$0x0];
	s2 =	stileid.u32  }
0x124: {  	s1 =	rddreg [dreg:$0x1];
	p0 =	sne.s32 s2, $0x0  }
0x125: {  	s3 =	rddreg [dreg:$0x2];
	[bflag:$0x3] =	sbarrier.arrive $0xFFFF;
	s2 =	simm.s32 @!p0 $0x1C02  }
0x126: {  	[timem:s3], [sflag:s2] =	dma.local @!p0 [hbm:s0], s1  }
0x127: {  	s0 =	simm.s32 @!p0 $0x2  }
0x128: {  	_ =	swait.ge @!p0 [sflag:s0], s1  }
0x129: {  	s1 =	ssub.s32 @!p0 $0x0, s1;
	[sflag:s0] =	ssyncset.done @!p0 $0x0  }
0x12a: {  	[sflag:s0] =	ssyncadd.s32 @!p0 s1  }
0x12b: {  	[bflag:$0x3] =	sbarrier.arrive $0xFFFF  }
0x12c: {  	_ =	shalt  }

// kernel: kernel.7.cloned.1.call-start
scs
__scs_entry_jumppad:
0x0: {  	(pc) =	sbr.rel $0x88, $3  }
0x1: {  	(tag) =	ssettag $0x0;
	lr =	simm.s32 $0x1  }
0x2: {  	[smem:$0x3F9B] =	sst lr;
	_ =	strace $0xD0000000  }
0x3: {  	_ = 	snop  }
0x4: {  	_ = 	snop  }
0x5: {  	_ = 	snop  }
0x6: {  	_ = 	snop  }
0x7: {  	_ = 	snop  }
__scs_overlays_trampoline_lowered:
0x8: {  	[smem:$0x3FAA] =	sst s0  }
0x9: {  	[smem:$0x3FAB] =	sst s1  }
0xa: {  	[smem:$0x3FAC] =	sst s2  }
0xb: {  	[smem:$0x3FAD] =	sst s3  }
0xc: {  	[smem:$0x3FAE] =	sst s4  }
0xd: {  	[smem:$0x3FAF] =	sst s5  }
0xe: {  	[smem:$0x3FB0] =	sst s6  }
0xf: {  	[smem:$0x3FB1] =	sst s7  }
0x10: {  	[smem:$0x3FB2] =	sst s8  }
0x11: {  	[smem:$0x3FB3] =	sst s9;
	s0 =	simm.s32 @!p0 $0x0  }
0x12: {  	s1 =	sld [smem:$0x3F99];
	s0 =	simm.s32 @p0 $0x1  }
0x13: {  	[smem:$0x3FB4] =	sst s0;
	s0 =	simm.s32 @!p1 $0x0  }
0x14: {  	s2 =	sld [smem:$0x3F98];
	s0 =	simm.s32 @p1 $0x1  }
0x15: {  	[smem:$0x3FB5] =	sst s0;
	s0 =	simm.s32 @!p2 $0x0  }
0x16: {  	s3 =	sld [smem:$0x3FDB];
	s0 =	simm.s32 @p2 $0x1  }
0x17: {  	s4 =	simm.s32 $0x1BF5;
	[smem:$0x3FB7] =	sst s0  }
0x18: {  	s0 =	sld [smem:$0x3F9A];
	_ =	swait.ge [sflag:s4], $0x0  }
0x19: {  	s7 =	sld [smem:$0x3F9B]  }
0x1a: {  	s8 =	sadd.s32 $0xFFFFE003, lr  }
0x1b: {  	s9 =	sadd.s32 $0xFFFFFEF7, lr;
	s5 =	simm.s32 $0xFFFFFFFF;
	p2 =	slt.u32 s8, $0xFFFFF086  }
0x1c: {  	p1 =	slt.u32 s9, $0xF7A;
	s5 =	simm.s32 @!p2 $0x0  }
0x1d: {  	s5 =	simm.s32 @p1 $0x1;
	p0 =	seq.s32 s7, s2  }
0x1e: {  	s7 =	smul.u32 @!p0 $0xF7A, s2;
	p2 =	seq.s32 @!p0 s5, $0x0  }
0x1f: {  	s9 =	smul.u32 $0xF7A, s1;
	s8 =	simm.s32 @!p0 $0x1BF5;
	p2 =	por !p2, p0  }
0x20: {  	[sflag:s8] =	ssyncset.s32 @!p0 $0xFFFFF086;
	s6 =	sadd.s32 @!p0 s3, s7;
	s7 =	simm.s32 @!p0 $0x108  }
0x21: {  	s3 =	sadd.s32 s3, s9;
	s6 =	sadd.s32 @!p0 $0x88, s6;
	s7 =	simm.s32 @p2 $0x1082  }
0x22: {  	[simem:s7], [sflag:s8] =	dma.local @!p0 [hbm:s6], $0xF7A  }
0x23: {  	s9 =	sor.u32 $0xD0000000, s2;
	s6 =	simm.s32 $0x108;
	_ =	swait.ge @!p0 [sflag:s8], $0x0  }
0x24: {  	s3 =	sadd.s32 $0x88, s3;
	s6 =	simm.s32 @!p1 $0x1082;
	[sflag:s4] =	ssyncset.s32 $0xFFFFF086  }
0x25: {  	[simem:s6], [sflag:s4] =	dma.local [hbm:s3], $0xF7A  }
0x26: {  	[smem:$0x3F9B] =	sst s1;
	(tag) =	ssettag s2;
	_ =	strace s9  }
0x27: {  	s1 =	sld [smem:$0x3FAB]  }
0x28: {  	s2 =	sld [smem:$0x3FAC]  }
0x29: {  	s4 =	sld [smem:$0x3FAE]  }
0x2a: {  	p0 =	seq.s32 s5, $0x0;
	s5 =	sld [smem:$0x3FAF]  }
0x2b: {  	s6 =	sld [smem:$0x3FB0]  }
0x2c: {  	s7 =	sld [smem:$0x3FB1]  }
0x2d: {  	s3 =	simm.s32 $0x108;
	s8 =	sld [smem:$0x3FB2]  }
0x2e: {  	s3 =	simm.s32 @!p0 $0x1082;
	s9 =	sld [smem:$0x3FB3]  }
0x2f: {  	lr =	sadd.s32 s0, s3;
	s0 =	sld [smem:$0x3FAA]  }
0x30: {  	s3 =	sld [smem:$0x3FAD]  }
0x31: {  	[smem:$0x3FB6] =	sst s10  }
0x32: {  	s10 =	sld [smem:$0x3FB4];
	_ =	sdelay $0x3  }
0x33: {  	p0 =	seq.s32 s10, $0x1;
	s10 =	sld [smem:$0x3FB6];
	_ =	sdelay $0x3  }
0x34: {  	[smem:$0x3FB6] =	sst s10  }
0x35: {  	s10 =	sld [smem:$0x3FB5];
	_ =	sdelay $0x3  }
0x36: {  	p1 =	seq.s32 s10, $0x1;
	s10 =	sld [smem:$0x3FB6];
	_ =	sdelay $0x3  }
0x37: {  	[smem:$0x3FB6] =	sst s10  }
0x38: {  	s10 =	sld [smem:$0x3FB7]  }
0x39: {  	_ = 	snop;
	(pc) =	sbr.ind lr, $3  }
0x3a: {  	_ = 	snop  }
0x3b: {  	_ = 	snop  }
0x3c: {  	p2 =	seq.s32 s10, $0x1;
	s10 =	sld [smem:$0x3FB6]  }
0x3d: {  	_ =	shalt  }
0x3e: {  	_ =	shalt  }
0x3f: {  	_ =	shalt  }
0x40: {  	_ =	shalt  }
0x41: {  	_ =	shalt  }
0x42: {  	_ =	shalt  }
0x43: {  	_ =	shalt  }
0x44: {  	_ =	shalt  }
0x45: {  	_ =	shalt  }
0x46: {  	_ =	shalt  }
0x47: {  	_ =	shalt  }
0x48: {  	_ =	shalt  }
0x49: {  	_ =	shalt  }
0x4a: {  	_ =	shalt  }
0x4b: {  	_ =	shalt  }
0x4c: {  	_ =	shalt  }
0x4d: {  	_ =	shalt  }
0x4e: {  	_ =	shalt  }
0x4f: {  	_ =	shalt  }
0x50: {  	_ =	shalt  }
0x51: {  	_ =	shalt  }
0x52: {  	_ =	shalt  }
0x53: {  	_ =	shalt  }
0x54: {  	_ =	shalt  }
0x55: {  	_ =	shalt  }
0x56: {  	_ =	shalt  }
0x57: {  	_ =	shalt  }
0x58: {  	_ =	shalt  }
0x59: {  	_ =	shalt  }
0x5a: {  	_ =	shalt  }
0x5b: {  	_ =	shalt  }
0x5c: {  	_ =	shalt  }
0x5d: {  	_ =	shalt  }
0x5e: {  	_ =	shalt  }
0x5f: {  	_ =	shalt  }
0x60: {  	_ =	shalt  }
0x61: {  	_ =	shalt  }
0x62: {  	_ =	shalt  }
0x63: {  	_ =	shalt  }
0x64: {  	_ =	shalt  }
0x65: {  	_ =	shalt  }
0x66: {  	_ =	shalt  }
0x67: {  	_ =	shalt  }
0x68: {  	_ =	shalt  }
0x69: {  	_ =	shalt  }
0x6a: {  	_ =	shalt  }
0x6b: {  	_ =	shalt  }
0x6c: {  	_ =	shalt  }
0x6d: {  	_ =	shalt  }
0x6e: {  	_ =	shalt  }
0x6f: {  	_ =	shalt  }
0x70: {  	_ =	shalt  }
0x71: {  	_ =	shalt  }
0x72: {  	_ =	shalt  }
0x73: {  	_ =	shalt  }
0x74: {  	_ =	shalt  }
0x75: {  	_ =	shalt  }
0x76: {  	_ =	shalt  }
0x77: {  	_ =	shalt  }
0x78: {  	_ =	shalt  }
0x79: {  	_ =	shalt  }
0x7a: {  	_ =	shalt  }
0x7b: {  	_ =	shalt  }
0x7c: {  	_ =	shalt  }
0x7d: {  	_ =	shalt  }
0x7e: {  	_ =	shalt  }
0x7f: {  	_ =	shalt  }
0x80: {  	_ =	shalt  }
0x81: {  	_ =	shalt  }
0x82: {  	_ =	shalt  }
0x83: {  	_ =	shalt  }
0x84: {  	_ =	shalt  }
0x85: {  	_ =	shalt  }
0x86: {  	_ =	shalt  }
0x87: {  	_ =	shalt  }
.Lfunc_end0:
.L_simem_size_0:
called_computation_lowered:
.L_overlay_start_0:
0x88: {  	s2 =	sld [smem:$0x3FD9]  }
0x89: {  	s3 =	sld [smem:$0x3FFE];
	_ =	sdelay $0x1  }
0x8a: {  	s1 =	srdreg.scid  }
0x8b: {  	s0 =	sand.u32 $0x1, s1  }
0x8c: {  	s14 =	sshll.u32 s0, $0xA;
	s2 =	sadd.s32 s3, s2  }
0x8d: {  	s2 =	sadd.s32 s2, s14  }
0x8e: {  	[smem:$0x3FC2] =	sst s2  }
0x8f: {  	_ = 	snop  }
0x90: {  	s2 =	sld [smem:$0x3FD0];
	_ =	sdelay $0x2  }
0x91: {  	s15 =	simm.s32 $0xA;
	s4 =	simm.s32 $0x10  }
0x92: {  	[smem:s4], [sflag:s15] =	dma.local [hbm:s2], $0x1  }
0x93: {  	_ =	swait.eq [sflag:s15], $0x1  }
0x94: {  	[sflag:s15] =	ssyncset.done $0x0  }
0x95: {  	[sflag:s15] =	ssyncadd.s32 $0xFFFFFFFF  }
0x96: {  	s16 =	sld [smem:$0x10];
	(tm) =	ssettm $0x1  }
0x97: {  	s17 =	sld [smem:$0x3FFB];
	_ =	sdelay $0x3  }
0x98: {  	_ =	strace s17  }
0x99: {  	s3 =	sld [smem:$0x3FFC];
	_ =	sdelay $0x3  }
0x9a: {  	_ =	strace s3  }
0x9b: {  	s3 =	sld [smem:$0x3FFD];
	_ =	sdelay $0x3  }
0x9c: {  	_ =	strace s3  }
0x9d: {  	_ =	strace $0x8FFFFFFF  }
0x9e: {  	s18 =	sld [smem:$0x3FDB];
	_ =	sdelay $0x1  }
0x9f: {  	s19 =	simm.s32 $_scs_section_size  }
0xa0: {  	s5 =	simm.s32 $_size__tile_overlayer_lowered;
	s6 =	simm.s32 $_tile_overlayer_lowered  }
0xa1: {  	s22 =	simm.s32 $0x1BFF;
	s21 =	sshll.u32 s6, $0x1;
	s3 =	sadd.s32 s19, s18  }
0xa2: {  	s7 =	simm.s32 $0x0;
	s20 =	sshll.u32 s5, $0x1;
	s5 =	sadd.s32 s21, s3  }
0xa3: {  	[timem:s7], [sflag:s22] =	dma.local [hbm:s5], s20  }
0xa4: {  	_ =	swait.ge [sflag:s22], s20  }
0xa5: {  	s4 =	ssub.s32 $0x0, s20;
	[sflag:s22] =	ssyncset.done $0x0  }
0xa6: {  	[sflag:s22] =	ssyncadd.s32 s4;
	_ =	sdelay $0x1  }
0xa7: {  	s23 =	simm.s32 $0x1B8B  }
0xa8: {  	_ =	swait.ge [sflag:s23], $0x1  }
0xa9: {  	[sflag:s23] =	ssyncset.done $0x0  }
0xaa: {  	s25 =	simm.s32 $0x1B8E;
	s24 =	sld [smem:$0x3FFE];
	[sflag:s23] =	ssyncadd.s32 $0xFFFFFFFF  }
0xab: {  	s26 =	simm.s32 $execute0_lowered;
	[smem:$0x3FD2] =	sst s25  }
0xac: {  	s5 =	sshll.u32 s26, $0x1;
	_ =	strace $0x80000046;
	[dreg:$0x1] =	wrdreg $0xFFFFFFFF  }
0xad: {  	s28 =	simm.s32 $_size_execute0_lowered;
	s3 =	sadd.s32 s3, s5;
	[dreg:$0x0] =	wrdreg $0x0  }
0xae: {  	s5 =	sshll.u32 s28, $0x1;
	[dreg:$0x2] =	wrdreg s3  }
0xaf: {  	[dreg:$0x3] =	wrdreg s5  }
0xb0: {  	[dreg:$0x4] =	wrdreg $0xC0  }
0xb1: {  	_ =	task [dreg:s7], $0x5FFFF  }
0xb2: {  	[dreg:$0x1] =	wrdreg $0xFFFFFFFF  }
0xb3: {  	[dreg:$0x0] =	wrdreg $0x60  }
0xb4: {  	[dreg:$0x2] =	wrdreg s16  }
0xb5: {  	[dreg:$0x3] =	wrdreg s24  }
0xb6: {  	[dreg:$0x4] =	wrdreg $0x9  }
0xb7: {  	_ =	task.clear_ibuf [dreg:s7], $0x5FFFF;
	_ =	strace $0x90000046  }
0xb8: {  	s29 =	simm.s32 $0x9;
	_ =	strace $0x80000048  }
0xb9: {  	_ =	swait.ge [sflag:s29], $0x1  }
0xba: {  	[sflag:s29] =	ssyncadd.s32 $0xFFFFFFFF  }
0xbb: {  	_ =	strace $0x90000048  }
0xbc: {  	_ =	sfence  }
0xbd: {  	s30 =	sld [smem:$0x0];
	_ =	sdelay $0x2  }
0xbe: {  	s31 =	sshll.u32 s1, $0xD;
	s1 =	sshrl.u32 s1, $0x2  }
0xbf: {  	s3 =	sand.u32 $0x4000, s31;
	s1 =	sadd.s32 s1, s30  }
0xc0: {  	s0 =	sor.u32 s3, s0;
	s1 =	sshll.u32 s1, $0x11  }
0xc1: {  	s0 =	sor.u32 s1, s0  }
0xc2: {  	s0 =	sadd.s32 $0x8F2B, s0  }
0xc3: {  	[sflag:s0] =	ssyncadd.remote.s32 $0x1  }
0xc4: {  	_ =	sfence.sel $0xFFFF  }
0xc5: {  	[dreg:$0x0] =	wrdreg $0xFFFFFFFF;
	(pc) =	sbr.abs _section_cstart, $3  }
0xc6: {  	[dreg:$0x1] =	wrdreg $0xFFFFFFFF  }
0xc7: {  	_ =	task.clear_ibuf [dreg:s7], $0x2FFFF;
	_ =	strace $0x9FFFFFFF  }
0xc8: {  	(tm) =	ssettm $0x7FFFFFFF  }
0xc9: {  	_ =	shalt  }
tec
execute0_lowered:
.L_overlay_start_1:
0x0: {  	(tag) =	ssettag $0x1  }
0x1: {  	s0 =	srdreg.scid  }
0x2: {  	s1 =	rddreg [dreg:$0x0];
	s2 =	stileid.u32  }
0x3: {  	s4 =	rddreg [dreg:$0x1];
	s7 =	simm.s32 $0x2;
	s26 =	simm.s32 $0x80  }
0x4: {  	s14 =	simm.s32 $0x100;
	s17 =	simm.s32 $0x1900;
	s18 =	simm.s32 $0x2100  }
0x5: {  	s19 =	simm.s32 $0x2900;
	s20 =	simm.s32 $0x3100;
	s21 =	simm.s32 $0x3900  }
0x6: {  	s22 =	simm.s32 $0x4100;
	s28 =	simm.s32 $0x6900;
	s29 =	simm.s32 $0x7100  }
0x7: {  	s30 =	simm.s32 $0x7900;
	s31 =	simm.s32 $0x8100;
	s8 =	simm.s32 $0x9900  }
0x8: {  	s9 =	simm.s32 $0xA100;
	s10 =	simm.s32 $0xA900;
	s11 =	simm.s32 $0xB100  }
0x9: {  	s12 =	simm.s32 $0xB900;
	s13 =	simm.s32 $0xC100;
	s0 =	sand.u32 $0x1, s0  }
0xa: {  	s3 =	sshll.u32 s2, $0x8;
	s2 =	simm.s32 $0x0;
	s5 =	sshll.u32 s0, $0x7  }
0xb: {  	[smem:$0x7FF] =	sst s2;
	s0 =	ssub.s32 $0x2, s0;
	s3 =	sor.u32 s5, s3  }
0xc: {  	_ =	strace $0x80000047;
	s23 =	sshrl.u32 s0, $0x1;
	[dreg:$0x6] =	wrdreg s26  }
0xd: {  	s26 =	simm.s32 $0x6100;
	s5 =	sshrl.u32 s3, $0x3;
	s6 =	sshll.u32 s3, $0x6  }
0xe: {  	s3 =	sadd.s32 $0x2A00, s4;
	s0 =	ssub.s32 s0, s23;
	s23 =	simm.s32 $0x4900  }
0xf: {  	s5 =	sadd.s32 s5, s4;
	s1 =	sadd.s32 s1, s6;
	s4 =	sadd.s32 $0x2B00, s4  }
0x10: {  	v2 =	vlaneseq.u32;
	s6 =	simm.s32 $0xC900;
	[dreg:$0x3] =	wrdreg s1;
	s24 =	sadd.s32 $0x2600, s5  }
0x11: {  	vm0 =	vmmov $0xffff;
	v1 =	vshrl.u32 v2, $0x3;
	s25 =	sadd.s32 $0x2800, s5;
	s5 =	smax.u32 s0, $0x1;
	[dreg:$0x4] =	wrdreg s24  }
0x12: {  	v0 =	vand.u32 $0x7, v2;
	v2 =	vor.u32 $0x8, v2;
	v1 =	vmul.u32 $0x8, v1;
	[dreg:$0x5] =	wrdreg s25;
	s24 =	simm.s32 $0x5100;
	s25 =	simm.s32 $0x5900  }
.LBB2_1:
0x13: {  	s15 =	rddreg [dreg:$0x3]  }
0x14: {  	[tilespmem:s14], [sflag:$0x2] =	stream.linear.gather [hbm4b:s15+s2], $0x10000, $0x38;
	[tilespmem:$0x10100] =	vst v63  }
0x15: {  	_ =	swait.ge [sflag:s7], $0x10000  }
0x16: {  	[sflag:s7] =	ssyncset.done $0x0  }
0x17: {  	s0 =	rddreg [dreg:$0x4];
	[sflag:s7] =	ssyncadd.s32 $0xFFFF0000  }
0x18: {  	[tilespmem:s2], [sflag:$0x2] =	stream.linear.gather [hbm4b:s0+s2], $0x80, $0x38;
	[tilespmem:$0x10100] =	vst v63  }
0x19: {  	_ =	swait.ge [sflag:s7], $0x80  }
0x1a: {  	s1 =	rddreg [dreg:$0x5];
	[sflag:s7] =	ssyncset.done $0x0  }
0x1b: {  	s16 =	rddreg [dreg:$0x6];
	[sflag:s7] =	ssyncadd.s32 $0xFFFFFF80  }
0x1c: {  	[tilespmem:s16], [sflag:$0x2] =	stream.linear.gather [hbm4b:s1+s2], $0x80, $0x38;
	[tilespmem:$0x10100] =	vst v63  }
0x1d: {  	_ =	swait.ge [sflag:s7], $0x80  }
0x1e: {  	[sflag:s7] =	ssyncset.done $0x0  }
0x1f: {  	[sflag:s7] =	ssyncadd.s32 $0xFFFFFF80  }
0x20: {  	v3 =	vld [tilespmem:$0x0];
	_ =	sdelay $0x4  }
0x21: {  	v4 =	vshll.u32 v3, $0x2  }
0x22: {  	v3 =	vand.u32 $0x7, v3;
	v4 =	vand.u32 $0xFFFFFFE0, v4  }
0x23: {  	v3 =	vor.u32 v3, v4  }
0x24: {  	v4 =	vperm.xlane v3, v0;
	_ =	sdelay $0x1  }
0x25: {  	v4 =	vadd.s32 v1, v4;
	_ =	sdelay $0x1  }
0x26: {  	v3 =	vperm.xlane v3, v2;
	_ =	sdelay $0x1  }
0x27: {  	v3 =	vadd.s32 v1, v3  }
0x28: {  	[hbm4b:s3+s2] =	stream.indirect_vreg.scatter [tilespmem:s14], [sflag:$0x1], $0x80, v4, vm0, $0xb8;
	[tilespmem:$0x10100] =	vst v63  }
0x29: {  	s15 =	simm.s32 $0x900  }
0x2a: {  	[hbm4b:s4+s2] =	stream.indirect_vreg.scatter [tilespmem:s15], [sflag:$0x1], $0x80, v4, vm0, $0xb8;
	[tilespmem:$0x10100] =	vst v63  }
0x2b: {  	s16 =	simm.s32 $0x1100  }
0x2c: {  	[hbm4b:s3+s2] =	stream.indirect_vreg.scatter [tilespmem:s16], [sflag:$0x1], $0x80, v3, vm0, $0xb8;
	[tilespmem:$0x10100] =	vst v63  }
0x2d: {  	_ = 	snop  }
0x2e: {  	[hbm4b:s4+s2] =	stream.indirect_vreg.scatter [tilespmem:s17], [sflag:$0x1], $0x80, v3, vm0, $0xb8;
	[tilespmem:$0x10100] =	vst v63  }
0x2f: {  	v3 =	vld [tilespmem:$0x10];
	_ =	sdelay $0x4  }
0x30: {  	v49 =	vshll.u32 v3, $0x2  }
0x31: {  	v3 =	vand.u32 $0x7, v3;
	v4 =	vand.u32 $0xFFFFFFE0, v49  }
0x32: {  	v3 =	vor.u32 v3, v4  }
0x33: {  	v4 =	vperm.xlane v3, v0;
	_ =	sdelay $0x1  }
0x34: {  	v4 =	vadd.s32 v1, v4;
	_ =	sdelay $0x1  }
0x35: {  	v3 =	vperm.xlane v3, v2;
	_ =	sdelay $0x1  }
0x36: {  	v3 =	vadd.s32 v1, v3  }
0x37: {  	[hbm4b:s3+s2] =	stream.indirect_vreg.scatter [tilespmem:s18], [sflag:$0x1], $0x80, v4, vm0, $0xb8;
	[tilespmem:$0x10100] =	vst v63  }
0x38: {  	_ = 	snop  }
0x39: {  	[hbm4b:s4+s2] =	stream.indirect_vreg.scatter [tilespmem:s19], [sflag:$0x1], $0x80, v4, vm0, $0xb8;
	[tilespmem:$0x10100] =	vst v63  }
0x3a: {  	_ = 	snop  }
0x3b: {  	[hbm4b:s3+s2] =	stream.indirect_vreg.scatter [tilespmem:s20], [sflag:$0x1], $0x80, v3, vm0, $0xb8;
	[tilespmem:$0x10100] =	vst v63  }
0x3c: {  	_ = 	snop  }
0x3d: {  	[hbm4b:s4+s2] =	stream.indirect_vreg.scatter [tilespmem:s21], [sflag:$0x1], $0x80, v3, vm0, $0xb8;
	[tilespmem:$0x10100] =	vst v63  }
0x3e: {  	v3 =	vld [tilespmem:$0x20];
	_ =	sdelay $0x4  }
0x3f: {  	v50 =	vshll.u32 v3, $0x2  }
0x40: {  	v3 =	vand.u32 $0x7, v3;
	v4 =	vand.u32 $0xFFFFFFE0, v50  }
0x41: {  	v3 =	vor.u32 v3, v4  }
0x42: {  	v4 =	vperm.xlane v3, v0;
	_ =	sdelay $0x1  }
0x43: {  	v4 =	vadd.s32 v1, v4;
	_ =	sdelay $0x1  }
0x44: {  	v3 =	vperm.xlane v3, v2;
	_ =	sdelay $0x1  }
0x45: {  	v3 =	vadd.s32 v1, v3  }
0x46: {  	[hbm4b:s3+s2] =	stream.indirect_vreg.scatter [tilespmem:s22], [sflag:$0x1], $0x80, v4, vm0, $0xb8;
	[tilespmem:$0x10100] =	vst v63  }
0x47: {  	_ = 	snop  }
0x48: {  	[hbm4b:s4+s2] =	stream.indirect_vreg.scatter [tilespmem:s23], [sflag:$0x1], $0x80, v4, vm0, $0xb8;
	[tilespmem:$0x10100] =	vst v63  }
0x49: {  	_ = 	snop  }
0x4a: {  	[hbm4b:s3+s2] =	stream.indirect_vreg.scatter [tilespmem:s24], [sflag:$0x1], $0x80, v3, vm0, $0xb8;
	[tilespmem:$0x10100] =	vst v63  }
0x4b: {  	_ = 	snop  }
0x4c: {  	[hbm4b:s4+s2] =	stream.indirect_vreg.scatter [tilespmem:s25], [sflag:$0x1], $0x80, v3, vm0, $0xb8;
	[tilespmem:$0x10100] =	vst v63  }
0x4d: {  	v3 =	vld [tilespmem:$0x30];
	_ =	sdelay $0x4  }
0x4e: {  	v51 =	vshll.u32 v3, $0x2  }
0x4f: {  	v3 =	vand.u32 $0x7, v3;
	v4 =	vand.u32 $0xFFFFFFE0, v51  }
0x50: {  	v3 =	vor.u32 v3, v4  }
0x51: {  	v4 =	vperm.xlane v3, v0;
	_ =	sdelay $0x1  }
0x52: {  	v4 =	vadd.s32 v1, v4;
	_ =	sdelay $0x1  }
0x53: {  	v3 =	vperm.xlane v3, v2;
	_ =	sdelay $0x1  }
0x54: {  	v3 =	vadd.s32 v1, v3  }
0x55: {  	[hbm4b:s3+s2] =	stream.indirect_vreg.scatter [tilespmem:s26], [sflag:$0x1], $0x80, v4, vm0, $0xb8;
	[tilespmem:$0x10100] =	vst v63  }
0x56: {  	_ = 	snop  }
0x57: {  	[hbm4b:s4+s2] =	stream.indirect_vreg.scatter [tilespmem:s28], [sflag:$0x1], $0x80, v4, vm0, $0xb8;
	[tilespmem:$0x10100] =	vst v63  }
0x58: {  	_ = 	snop  }
0x59: {  	[hbm4b:s3+s2] =	stream.indirect_vreg.scatter [tilespmem:s29], [sflag:$0x1], $0x80, v3, vm0, $0xb8;
	[tilespmem:$0x10100] =	vst v63  }
0x5a: {  	_ = 	snop  }
0x5b: {  	[hbm4b:s4+s2] =	stream.indirect_vreg.scatter [tilespmem:s30], [sflag:$0x1], $0x80, v3, vm0, $0xb8;
	[tilespmem:$0x10100] =	vst v63  }
0x5c: {  	v3 =	vld [tilespmem:$0x40];
	_ =	sdelay $0x4  }
0x5d: {  	v52 =	vshll.u32 v3, $0x2  }
0x5e: {  	v3 =	vand.u32 $0x7, v3;
	v4 =	vand.u32 $0xFFFFFFE0, v52  }
0x5f: {  	v3 =	vor.u32 v3, v4  }
0x60: {  	v4 =	vperm.xlane v3, v0;
	_ =	sdelay $0x1  }
0x61: {  	v4 =	vadd.s32 v1, v4;
	_ =	sdelay $0x1  }
0x62: {  	v3 =	vperm.xlane v3, v2;
	_ =	sdelay $0x1  }
0x63: {  	v3 =	vadd.s32 v1, v3  }
0x64: {  	[hbm4b:s3+s2] =	stream.indirect_vreg.scatter [tilespmem:s31], [sflag:$0x1], $0x80, v4, vm0, $0xb8;
	[tilespmem:$0x10100] =	vst v63  }
0x65: {  	s1 =	simm.s32 $0x8900  }
0x66: {  	[hbm4b:s4+s2] =	stream.indirect_vreg.scatter [tilespmem:s1], [sflag:$0x1], $0x80, v4, vm0, $0xb8;
	[tilespmem:$0x10100] =	vst v63  }
0x67: {  	s0 =	simm.s32 $0x9100  }
0x68: {  	[hbm4b:s3+s2] =	stream.indirect_vreg.scatter [tilespmem:s0], [sflag:$0x1], $0x80, v3, vm0, $0xb8;
	[tilespmem:$0x10100] =	vst v63  }
0x69: {  	_ = 	snop  }
0x6a: {  	[hbm4b:s4+s2] =	stream.indirect_vreg.scatter [tilespmem:s8], [sflag:$0x1], $0x80, v3, vm0, $0xb8;
	[tilespmem:$0x10100] =	vst v63  }
0x6b: {  	v3 =	vld [tilespmem:$0x50];
	_ =	sdelay $0x4  }
0x6c: {  	v53 =	vshll.u32 v3, $0x2  }
0x6d: {  	v3 =	vand.u32 $0x7, v3;
	v4 =	vand.u32 $0xFFFFFFE0, v53  }
0x6e: {  	v3 =	vor.u32 v3, v4  }
0x6f: {  	v4 =	vperm.xlane v3, v0;
	_ =	sdelay $0x1  }
0x70: {  	v4 =	vadd.s32 v1, v4;
	_ =	sdelay $0x1  }
0x71: {  	v3 =	vperm.xlane v3, v2;
	_ =	sdelay $0x1  }
0x72: {  	v3 =	vadd.s32 v1, v3  }
0x73: {  	[hbm4b:s3+s2] =	stream.indirect_vreg.scatter [tilespmem:s9], [sflag:$0x1], $0x80, v4, vm0, $0xb8;
	[tilespmem:$0x10100] =	vst v63  }
0x74: {  	_ = 	snop  }
0x75: {  	[hbm4b:s4+s2] =	stream.indirect_vreg.scatter [tilespmem:s10], [sflag:$0x1], $0x80, v4, vm0, $0xb8;
	[tilespmem:$0x10100] =	vst v63  }
0x76: {  	_ = 	snop  }
0x77: {  	[hbm4b:s3+s2] =	stream.indirect_vreg.scatter [tilespmem:s11], [sflag:$0x1], $0x80, v3, vm0, $0xb8;
	[tilespmem:$0x10100] =	vst v63  }
0x78: {  	_ = 	snop  }
0x79: {  	[hbm4b:s4+s2] =	stream.indirect_vreg.scatter [tilespmem:s12], [sflag:$0x1], $0x80, v3, vm0, $0xb8;
	[tilespmem:$0x10100] =	vst v63  }
0x7a: {  	v3 =	vld [tilespmem:$0x60];
	_ =	sdelay $0x4  }
0x7b: {  	v54 =	vshll.u32 v3, $0x2  }
0x7c: {  	v3 =	vand.u32 $0x7, v3;
	v4 =	vand.u32 $0xFFFFFFE0, v54  }
0x7d: {  	v3 =	vor.u32 v3, v4  }
0x7e: {  	v4 =	vperm.xlane v3, v0;
	_ =	sdelay $0x1  }
0x7f: {  	v4 =	vadd.s32 v1, v4;
	_ =	sdelay $0x1  }
0x80: {  	v3 =	vperm.xlane v3, v2;
	_ =	sdelay $0x1  }
0x81: {  	v3 =	vadd.s32 v1, v3  }
0x82: {  	[hbm4b:s3+s2] =	stream.indirect_vreg.scatter [tilespmem:s13], [sflag:$0x1], $0x80, v4, vm0, $0xb8;
	[tilespmem:$0x10100] =	vst v63  }
0x83: {  	_ = 	snop  }
0x84: {  	[hbm4b:s4+s2] =	stream.indirect_vreg.scatter [tilespmem:s6], [sflag:$0x1], $0x80, v4, vm0, $0xb8;
	[tilespmem:$0x10100] =	vst v63  }
0x85: {  	s0 =	simm.s32 $0xD100  }
0x86: {  	[hbm4b:s3+s2] =	stream.indirect_vreg.scatter [tilespmem:s0], [sflag:$0x1], $0x80, v3, vm0, $0xb8;
	[tilespmem:$0x10100] =	vst v63  }
0x87: {  	s0 =	simm.s32 $0xD900  }
0x88: {  	[hbm4b:s4+s2] =	stream.indirect_vreg.scatter [tilespmem:s0], [sflag:$0x1], $0x80, v3, vm0, $0xb8;
	[tilespmem:$0x10100] =	vst v63  }
0x89: {  	v3 =	vld [tilespmem:$0x70];
	_ =	sdelay $0x4  }
0x8a: {  	v55 =	vshll.u32 v3, $0x2  }
0x8b: {  	v3 =	vand.u32 $0x7, v3;
	v4 =	vand.u32 $0xFFFFFFE0, v55  }
0x8c: {  	v3 =	vor.u32 v3, v4  }
0x8d: {  	v4 =	vperm.xlane v3, v0;
	_ =	sdelay $0x1  }
0x8e: {  	v4 =	vadd.s32 v1, v4;
	_ =	sdelay $0x1  }
0x8f: {  	v3 =	vperm.xlane v3, v2;
	_ =	sdelay $0x1  }
0x90: {  	s0 =	simm.s32 $0xE100;
	v3 =	vadd.s32 v1, v3  }
0x91: {  	[hbm4b:s3+s2] =	stream.indirect_vreg.scatter [tilespmem:s0], [sflag:$0x1], $0x80, v4, vm0, $0xb8;
	[tilespmem:$0x10100] =	vst v63  }
0x92: {  	s0 =	simm.s32 $0xE900  }
0x93: {  	[hbm4b:s4+s2] =	stream.indirect_vreg.scatter [tilespmem:s0], [sflag:$0x1], $0x80, v4, vm0, $0xb8;
	[tilespmem:$0x10100] =	vst v63  }
0x94: {  	s0 =	simm.s32 $0xF100  }
0x95: {  	[hbm4b:s3+s2] =	stream.indirect_vreg.scatter [tilespmem:s0], [sflag:$0x1], $0x80, v3, vm0, $0xb8;
	[tilespmem:$0x10100] =	vst v63  }
0x96: {  	s0 =	simm.s32 $0xF900  }
0x97: {  	[hbm4b:s4+s2] =	stream.indirect_vreg.scatter [tilespmem:s0], [sflag:$0x1], $0x80, v3, vm0, $0xb8;
	[tilespmem:$0x10100] =	vst v63  }
0x98: {  	v3 =	vld [tilespmem:$0x80];
	_ =	sdelay $0x4  }
0x99: {  	v56 =	vshll.u32 v3, $0x2  }
0x9a: {  	v3 =	vand.u32 $0x7, v3;
	v4 =	vand.u32 $0xFFFFFFE0, v56  }
0x9b: {  	v3 =	vor.u32 v3, v4  }
0x9c: {  	v4 =	vperm.xlane v3, v0;
	_ =	sdelay $0x1  }
0x9d: {  	v4 =	vadd.s32 v1, v4;
	_ =	sdelay $0x1  }
0x9e: {  	v3 =	vperm.xlane v3, v2;
	_ =	sdelay $0x1  }
0x9f: {  	v3 =	vadd.s32 v1, v3  }
0xa0: {  	[hbm4b:s3+s2] =	stream.indirect_vreg.scatter [tilespmem:s14], [sflag:$0x1], $0x80, v4, vm0, $0xb8;
	[tilespmem:$0x10100] =	vst v63  }
0xa1: {  	_ = 	snop  }
0xa2: {  	[hbm4b:s4+s2] =	stream.indirect_vreg.scatter [tilespmem:s15], [sflag:$0x1], $0x80, v4, vm0, $0xb8;
	[tilespmem:$0x10100] =	vst v63  }
0xa3: {  	_ = 	snop  }
0xa4: {  	[hbm4b:s3+s2] =	stream.indirect_vreg.scatter [tilespmem:s16], [sflag:$0x1], $0x80, v3, vm0, $0xb8;
	[tilespmem:$0x10100] =	vst v63  }
0xa5: {  	_ = 	snop  }
0xa6: {  	[hbm4b:s4+s2] =	stream.indirect_vreg.scatter [tilespmem:s17], [sflag:$0x1], $0x80, v3, vm0, $0xb8;
	[tilespmem:$0x10100] =	vst v63  }
0xa7: {  	v3 =	vld [tilespmem:$0x90];
	_ =	sdelay $0x4  }
0xa8: {  	v57 =	vshll.u32 v3, $0x2  }
0xa9: {  	v3 =	vand.u32 $0x7, v3;
	v4 =	vand.u32 $0xFFFFFFE0, v57  }
0xaa: {  	v3 =	vor.u32 v3, v4  }
0xab: {  	v4 =	vperm.xlane v3, v0;
	_ =	sdelay $0x1  }
0xac: {  	v4 =	vadd.s32 v1, v4;
	_ =	sdelay $0x1  }
0xad: {  	v3 =	vperm.xlane v3, v2;
	_ =	sdelay $0x1  }
0xae: {  	v3 =	vadd.s32 v1, v3  }
0xaf: {  	[hbm4b:s3+s2] =	stream.indirect_vreg.scatter [tilespmem:s18], [sflag:$0x1], $0x80, v4, vm0, $0xb8;
	[tilespmem:$0x10100] =	vst v63  }
0xb0: {  	_ = 	snop  }
0xb1: {  	[hbm4b:s4+s2] =	stream.indirect_vreg.scatter [tilespmem:s19], [sflag:$0x1], $0x80, v4, vm0, $0xb8;
	[tilespmem:$0x10100] =	vst v63  }
0xb2: {  	_ = 	snop  }
0xb3: {  	[hbm4b:s3+s2] =	stream.indirect_vreg.scatter [tilespmem:s20], [sflag:$0x1], $0x80, v3, vm0, $0xb8;
	[tilespmem:$0x10100] =	vst v63  }
0xb4: {  	_ = 	snop  }
0xb5: {  	[hbm4b:s4+s2] =	stream.indirect_vreg.scatter [tilespmem:s21], [sflag:$0x1], $0x80, v3, vm0, $0xb8;
	[tilespmem:$0x10100] =	vst v63  }
0xb6: {  	v3 =	vld [tilespmem:$0xA0];
	_ =	sdelay $0x4  }
0xb7: {  	v58 =	vshll.u32 v3, $0x2  }
0xb8: {  	v3 =	vand.u32 $0x7, v3;
	v4 =	vand.u32 $0xFFFFFFE0, v58  }
0xb9: {  	v3 =	vor.u32 v3, v4  }
0xba: {  	v4 =	vperm.xlane v3, v0;
	_ =	sdelay $0x1  }
0xbb: {  	v4 =	vadd.s32 v1, v4;
	_ =	sdelay $0x1  }
0xbc: {  	v3 =	vperm.xlane v3, v2;
	_ =	sdelay $0x1  }
0xbd: {  	v3 =	vadd.s32 v1, v3  }
0xbe: {  	[hbm4b:s3+s2] =	stream.indirect_vreg.scatter [tilespmem:s22], [sflag:$0x1], $0x80, v4, vm0, $0xb8;
	[tilespmem:$0x10100] =	vst v63  }
0xbf: {  	_ = 	snop  }
0xc0: {  	[hbm4b:s4+s2] =	stream.indirect_vreg.scatter [tilespmem:s23], [sflag:$0x1], $0x80, v4, vm0, $0xb8;
	[tilespmem:$0x10100] =	vst v63  }
0xc1: {  	_ = 	snop  }
0xc2: {  	[hbm4b:s3+s2] =	stream.indirect_vreg.scatter [tilespmem:s24], [sflag:$0x1], $0x80, v3, vm0, $0xb8;
	[tilespmem:$0x10100] =	vst v63  }
0xc3: {  	_ = 	snop  }
0xc4: {  	[hbm4b:s4+s2] =	stream.indirect_vreg.scatter [tilespmem:s25], [sflag:$0x1], $0x80, v3, vm0, $0xb8;
	[tilespmem:$0x10100] =	vst v63  }
0xc5: {  	v3 =	vld [tilespmem:$0xB0];
	_ =	sdelay $0x4  }
0xc6: {  	v59 =	vshll.u32 v3, $0x2  }
0xc7: {  	v3 =	vand.u32 $0x7, v3;
	v4 =	vand.u32 $0xFFFFFFE0, v59  }
0xc8: {  	v3 =	vor.u32 v3, v4  }
0xc9: {  	v4 =	vperm.xlane v3, v0;
	_ =	sdelay $0x1  }
0xca: {  	v4 =	vadd.s32 v1, v4;
	_ =	sdelay $0x1  }
0xcb: {  	v3 =	vperm.xlane v3, v2;
	_ =	sdelay $0x1  }
0xcc: {  	v3 =	vadd.s32 v1, v3  }
0xcd: {  	[hbm4b:s3+s2] =	stream.indirect_vreg.scatter [tilespmem:s26], [sflag:$0x1], $0x80, v4, vm0, $0xb8;
	[tilespmem:$0x10100] =	vst v63  }
0xce: {  	_ = 	snop  }
0xcf: {  	[hbm4b:s4+s2] =	stream.indirect_vreg.scatter [tilespmem:s28], [sflag:$0x1], $0x80, v4, vm0, $0xb8;
	[tilespmem:$0x10100] =	vst v63  }
0xd0: {  	_ = 	snop  }
0xd1: {  	[hbm4b:s3+s2] =	stream.indirect_vreg.scatter [tilespmem:s29], [sflag:$0x1], $0x80, v3, vm0, $0xb8;
	[tilespmem:$0x10100] =	vst v63  }
0xd2: {  	_ = 	snop  }
0xd3: {  	[hbm4b:s4+s2] =	stream.indirect_vreg.scatter [tilespmem:s30], [sflag:$0x1], $0x80, v3, vm0, $0xb8;
	[tilespmem:$0x10100] =	vst v63  }
0xd4: {  	v3 =	vld [tilespmem:$0xC0];
	_ =	sdelay $0x4  }
0xd5: {  	v60 =	vshll.u32 v3, $0x2  }
0xd6: {  	v3 =	vand.u32 $0x7, v3;
	v4 =	vand.u32 $0xFFFFFFE0, v60  }
0xd7: {  	v3 =	vor.u32 v3, v4  }
0xd8: {  	v4 =	vperm.xlane v3, v0;
	_ =	sdelay $0x1  }
0xd9: {  	v4 =	vadd.s32 v1, v4;
	_ =	sdelay $0x1  }
0xda: {  	v3 =	vperm.xlane v3, v2;
	_ =	sdelay $0x1  }
0xdb: {  	v3 =	vadd.s32 v1, v3  }
0xdc: {  	[hbm4b:s3+s2] =	stream.indirect_vreg.scatter [tilespmem:s31], [sflag:$0x1], $0x80, v4, vm0, $0xb8;
	[tilespmem:$0x10100] =	vst v63  }
0xdd: {  	_ = 	snop  }
0xde: {  	[hbm4b:s4+s2] =	stream.indirect_vreg.scatter [tilespmem:s1], [sflag:$0x1], $0x80, v4, vm0, $0xb8;
	[tilespmem:$0x10100] =	vst v63  }
0xdf: {  	s16 =	simm.s32 $0x9100  }
0xe0: {  	[hbm4b:s3+s2] =	stream.indirect_vreg.scatter [tilespmem:s16], [sflag:$0x1], $0x80, v3, vm0, $0xb8;
	[tilespmem:$0x10100] =	vst v63  }
0xe1: {  	_ = 	snop  }
0xe2: {  	[hbm4b:s4+s2] =	stream.indirect_vreg.scatter [tilespmem:s8], [sflag:$0x1], $0x80, v3, vm0, $0xb8;
	[tilespmem:$0x10100] =	vst v63  }
0xe3: {  	v3 =	vld [tilespmem:$0xD0];
	_ =	sdelay $0x4  }
0xe4: {  	v61 =	vshll.u32 v3, $0x2  }
0xe5: {  	v3 =	vand.u32 $0x7, v3;
	v4 =	vand.u32 $0xFFFFFFE0, v61  }
0xe6: {  	v3 =	vor.u32 v3, v4  }
0xe7: {  	v4 =	vperm.xlane v3, v0;
	_ =	sdelay $0x1  }
0xe8: {  	v4 =	vadd.s32 v1, v4;
	_ =	sdelay $0x1  }
0xe9: {  	v3 =	vperm.xlane v3, v2;
	_ =	sdelay $0x1  }
0xea: {  	v3 =	vadd.s32 v1, v3  }
0xeb: {  	[hbm4b:s3+s2] =	stream.indirect_vreg.scatter [tilespmem:s9], [sflag:$0x1], $0x80, v4, vm0, $0xb8;
	[tilespmem:$0x10100] =	vst v63  }
0xec: {  	_ = 	snop  }
0xed: {  	[hbm4b:s4+s2] =	stream.indirect_vreg.scatter [tilespmem:s10], [sflag:$0x1], $0x80, v4, vm0, $0xb8;
	[tilespmem:$0x10100] =	vst v63  }
0xee: {  	_ = 	snop  }
0xef: {  	[hbm4b:s3+s2] =	stream.indirect_vreg.scatter [tilespmem:s11], [sflag:$0x1], $0x80, v3, vm0, $0xb8;
	[tilespmem:$0x10100] =	vst v63  }
0xf0: {  	_ = 	snop  }
0xf1: {  	[hbm4b:s4+s2] =	stream.indirect_vreg.scatter [tilespmem:s12], [sflag:$0x1], $0x80, v3, vm0, $0xb8;
	[tilespmem:$0x10100] =	vst v63  }
0xf2: {  	v3 =	vld [tilespmem:$0xE0];
	_ =	sdelay $0x4  }
0xf3: {  	v62 =	vshll.u32 v3, $0x2  }
0xf4: {  	v3 =	vand.u32 $0x7, v3;
	v4 =	vand.u32 $0xFFFFFFE0, v62  }
0xf5: {  	v3 =	vor.u32 v3, v4  }
0xf6: {  	v4 =	vperm.xlane v3, v0;
	_ =	sdelay $0x1  }
0xf7: {  	v4 =	vadd.s32 v1, v4;
	_ =	sdelay $0x1  }
0xf8: {  	v3 =	vperm.xlane v3, v2;
	_ =	sdelay $0x1  }
0xf9: {  	v3 =	vadd.s32 v1, v3  }
0xfa: {  	[hbm4b:s3+s2] =	stream.indirect_vreg.scatter [tilespmem:s13], [sflag:$0x1], $0x80, v4, vm0, $0xb8;
	[tilespmem:$0x10100] =	vst v63  }
0xfb: {  	_ = 	snop  }
0xfc: {  	[hbm4b:s4+s2] =	stream.indirect_vreg.scatter [tilespmem:s6], [sflag:$0x1], $0x80, v4, vm0, $0xb8;
	[tilespmem:$0x10100] =	vst v63  }
0xfd: {  	s15 =	simm.s32 $0xD100  }
0xfe: {  	[hbm4b:s3+s2] =	stream.indirect_vreg.scatter [tilespmem:s15], [sflag:$0x1], $0x80, v3, vm0, $0xb8;
	[tilespmem:$0x10100] =	vst v63  }
0xff: {  	s16 =	simm.s32 $0xD900  }
0x100: {  	[hbm4b:s4+s2] =	stream.indirect_vreg.scatter [tilespmem:s16], [sflag:$0x1], $0x80, v3, vm0, $0xb8;
	[tilespmem:$0x10100] =	vst v63  }
0x101: {  	v3 =	vld [tilespmem:$0xF0];
	_ =	sdelay $0x4  }
0x102: {  	v63 =	vshll.u32 v3, $0x2  }
0x103: {  	v3 =	vand.u32 $0x7, v3;
	v4 =	vand.u32 $0xFFFFFFE0, v63  }
0x104: {  	v3 =	vor.u32 v3, v4  }
0x105: {  	v4 =	vperm.xlane v3, v0;
	_ =	sdelay $0x1  }
0x106: {  	v4 =	vadd.s32 v1, v4;
	_ =	sdelay $0x1  }
0x107: {  	v3 =	vperm.xlane v3, v2;
	_ =	sdelay $0x1  }
0x108: {  	s15 =	simm.s32 $0xE100;
	v3 =	vadd.s32 v1, v3  }
0x109: {  	[hbm4b:s3+s2] =	stream.indirect_vreg.scatter [tilespmem:s15], [sflag:$0x1], $0x80, v4, vm0, $0xb8;
	[tilespmem:$0x10100] =	vst v63  }
0x10a: {  	s16 =	simm.s32 $0xE900  }
0x10b: {  	[hbm4b:s4+s2] =	stream.indirect_vreg.scatter [tilespmem:s16], [sflag:$0x1], $0x80, v4, vm0, $0xb8;
	[tilespmem:$0x10100] =	vst v63  }
0x10c: {  	s15 =	simm.s32 $0xF100  }
0x10d: {  	[hbm4b:s3+s2] =	stream.indirect_vreg.scatter [tilespmem:s15], [sflag:$0x1], $0x80, v3, vm0, $0xb8;
	[tilespmem:$0x10100] =	vst v63  }
0x10e: {  	s16 =	simm.s32 $0x1  }
0x10f: {  	[hbm4b:s4+s2] =	stream.indirect_vreg.scatter [tilespmem:s0], [sflag:$0x1], $0x80, v3, vm0, $0xb8;
	[tilespmem:$0x10100] =	vst v63  }
0x110: {  	p0 =	sne.s32 s5, $0x1;
	_ =	swait.ge [sflag:s16], $0x10000  }
.Ltmp0:
0x111: {  	[sflag:s16] =	ssyncset.done $0x0;
	(pc) =	sbr.rel @p0 .LBB2_1-.Ltmp0, $4  }
0x112: {  	[sflag:s16] =	ssyncadd.s32 $0xFFFF0000  }
0x113: {  	_ =	swait.ge [sflag:s16], $0x10000  }
0x114: {  	[sflag:s16] =	ssyncset.done $0x0  }
0x115: {  	s5 =	sadd.s32 $0xFFFFFFFF, s5;
	[sflag:s16] =	ssyncadd.s32 $0xFFFF0000  }
0x116: {  	_ =	sfence.sel $0x180000  }
0x117: {  	[bflag:$0x0] =	sbarrier.arrive $0xFFFF  }
0x118: {  	_ =	strace $0x90000047  }
0x119: {  	s0 =	stileid.u32;
	[bflag:$0x2] =	sbarrier.arrive $0xFFFF  }
0x11a: {  	p0 =	sne.s32 s0, $0x0;
	s0 =	rddreg [dreg:$0x2]  }
0x11b: {  	s0 =	sadd.s32 @!p0 $0x100000, s0  }
0x11c: {  	[sflag:s0] =	ssyncadd.tile.s32 @!p0 $0x1;
	_ =	shalt  }
.Lfunc_end2:
_tile_overlayer_lowered:
.L_overlay_start_2:
0x11d: {  	(tag) =	ssettag $0x2  }
0x11e: {  	s0 =	rddreg [dreg:$0x0];
	s2 =	stileid.u32  }
0x11f: {  	s1 =	rddreg [dreg:$0x1];
	p0 =	sne.s32 s2, $0x0  }
0x120: {  	s3 =	rddreg [dreg:$0x2];
	[bflag:$0x3] =	sbarrier.arrive $0xFFFF;
	s2 =	simm.s32 @!p0 $0x1C02  }
0x121: {  	[timem:s3], [sflag:s2] =	dma.local @!p0 [hbm:s0], s1  }
0x122: {  	s0 =	simm.s32 @!p0 $0x2  }
0x123: {  	_ =	swait.ge @!p0 [sflag:s0], s1  }
0x124: {  	s1 =	ssub.s32 @!p0 $0x0, s1;
	[sflag:s0] =	ssyncset.done @!p0 $0x0  }
0x125: {  	[sflag:s0] =	ssyncadd.s32 @!p0 s1  }
0x126: {  	[bflag:$0x3] =	sbarrier.arrive $0xFFFF  }
0x127: {  	_ =	shalt  }

</sc_bundles>
